<compile_context>
chip_gen: v7x
topology: tpu7x:2x2x1
jax: 0.10.2.dev20260603
libtpu: 0.0.44.dev20260713+nightly
codegen_flags: <defaults>
</compile_context>

<pallas_src>
import functools

import jax
import jax.numpy as jnp
from jax import lax
from jax.experimental import pallas as pl
from jax.experimental.pallas import tpu as pltpu
from jax.experimental.pallas import tpu_sc as plsc

NUM_TYPE = 6
NUM_DIR = 3
NTAB = NUM_TYPE * NUM_DIR
D = 64
DP = 128
E_TOTAL = 800000

NC = 2
NS = 16
NW = NC * NS

CHUNK = 400
NCHUNK_TOT = E_TOTAL // CHUNK
GROUPS = CHUNK // 16


def _sc_body(
    a_hbm, b_hbm, comb_hbm, out_hbm,
    a0_v, a1_v, b0_v, b1_v, comb_v, addr_v, rows0_v, rows1_v,
    in_sem0, in_sem1, sem0, sem1,
):
    wid = lax.axis_index("s") * NC + lax.axis_index("c")
    a_bufs = (a0_v, a1_v)
    b_bufs = (b0_v, b1_v)
    rows_bufs = (rows0_v, rows1_v)
    in_sems = (in_sem0, in_sem1)
    sems = (sem0, sem1)

    pltpu.sync_copy(comb_hbm, comb_v)

    iota = lax.iota(jnp.int32, 16)
    k_iters = (NCHUNK_TOT + NW - 1) // NW

    def start_in_copy(k, half):
        c = wid + k * NW

        @pl.when(c < NCHUNK_TOT)
        def _():
            ebase = pl.multiple_of(c * CHUNK, 8)
            pltpu.async_copy(a_hbm.at[pl.ds(ebase, CHUNK)], a_bufs[half], in_sems[half])
            pltpu.async_copy(b_hbm.at[pl.ds(ebase, CHUNK)], b_bufs[half], in_sems[half])

    def run_chunk(k, kk, half):
        a_v = a_bufs[half]
        b_v = b_bufs[half]
        rows_v = rows_bufs[half]
        sem = sems[half]
        c = wid + k * NW
        ebase = pl.multiple_of(c * CHUNK, 8)

        pltpu.make_async_copy(a_hbm.at[pl.ds(0, CHUNK)], a_v, in_sems[half]).wait()
        pltpu.make_async_copy(b_hbm.at[pl.ds(0, CHUNK)], b_v, in_sems[half]).wait()
        start_in_copy(k + 1, half ^ 1)

        @pl.when(kk >= 1)
        def _drain():
            pltpu.make_async_copy(
                out_hbm.at[pl.ds(0, CHUNK)], rows_v, sem
            ).wait()

        for g in range(GROUPS):
            a = a_v[pl.ds(g * 16, 16)]
            b = b_v[pl.ds(g * 16, 16)]
            t = jnp.clip(a * 3 + b, 0, NTAB - 1)
            addr_v[pl.ds(g * 16, 16)] = t * D

        def d_body(d, carry2):
            rot = (iota + d) & (D - 1)
            for blk in range(0, GROUPS, 8):
                gs = range(blk, min(blk + 8, GROUPS))
                vals = []
                for g in gs:
                    av = addr_v[pl.ds(g * 16, 16)]
                    vals.append(plsc.load_gather(comb_v, [av + rot]))
                for g, v in zip(gs, vals):
                    plsc.store_scatter(rows_v, [iota + g * 16, rot], v)
            return carry2

        lax.fori_loop(0, D, d_body, 0)

        pltpu.async_copy(rows_v, out_hbm.at[pl.ds(ebase, CHUNK)], sem)

    def pair_body(kk, carry):
        for half in (0, 1):
            k = kk * 2 + half
            c = wid + k * NW

            @pl.when(c < NCHUNK_TOT)
            def _():
                run_chunk(k, kk, half)

        return carry

    start_in_copy(0, 0)
    lax.fori_loop(0, (k_iters + 1) // 2, pair_body, 0)

    for half in (0, 1):
        pltpu.make_async_copy(
            out_hbm.at[pl.ds(0, CHUNK)], rows_bufs[half], sems[half]
        ).wait()


@jax.jit
def _encode(a_col, b_col, comb):
    mesh = plsc.VectorSubcoreMesh(
        core_axis_name="c", subcore_axis_name="s", num_cores=NC, num_subcores=NS
    )
    fn = pl.kernel(
        _sc_body,
        out_type=jax.ShapeDtypeStruct((E_TOTAL, D), jnp.float32),
        mesh=mesh,
        compiler_params=pltpu.CompilerParams(
            needs_layout_passes=False, use_tc_tiling_on_sc=True
        ),
        scratch_types=[
            pltpu.VMEM((CHUNK,), jnp.int32),
            pltpu.VMEM((CHUNK,), jnp.int32),
            pltpu.VMEM((CHUNK,), jnp.int32),
            pltpu.VMEM((CHUNK,), jnp.int32),
            pltpu.VMEM((NTAB * D,), jnp.float32),
            pltpu.VMEM((CHUNK,), jnp.int32),
            pltpu.VMEM((CHUNK, D), jnp.float32),
            pltpu.VMEM((CHUNK, D), jnp.float32),
            pltpu.SemaphoreType.DMA,
            pltpu.SemaphoreType.DMA,
            pltpu.SemaphoreType.DMA,
            pltpu.SemaphoreType.DMA,
        ],
    )
    return fn(a_col, b_col, comb)


def kernel(edge_attr, W):
    Wt = W.T.astype(jnp.float32)
    comb = (Wt[:NUM_TYPE, None, :] + Wt[None, NUM_TYPE:, :]).reshape(NTAB * D)
    ea = edge_attr.astype(jnp.int32)
    return _encode(ea[:, 0], ea[:, 1], comb)

# --- scband reference (transcript-rebuilt; emitter-appended) ---
"""Pipeline reference for scband-mixed-bond-encoder-50955491999992 (READ-ONLY COPY).

The authoritative reference and input builder live on the scoring server;
editing this copy changes nothing except your own understanding.
"""

import jax, jax.numpy as jnp
import numpy as np

NUM_BOND_TYPE = 6
NUM_BOND_DIRECTION = 3
EMB_DIM = 64
E = 800000


def setup_inputs(seed: int = 0) -> dict:
    key = jax.random.key(seed)
    k1, k2 = jax.random.split(key)
    edge_attr = jax.random.randint(k1, (E, 2), 0, 3, dtype=jnp.int64)
    # torch nn.Linear weight layout: [out_features, in_features] = [emb_dim, 9]
    W = jax.random.normal(k2, (EMB_DIM, NUM_BOND_TYPE + NUM_BOND_DIRECTION), dtype=jnp.float32) * 0.1
    return {"edge_attr": edge_attr, "W": W}


def reference(edge_attr, W):
    # edge_attr.shape[1] == 2 branch of MixedBondEncoder.forward
    embedding = W.T  # [9, emb_dim]
    type_table = embedding[:NUM_BOND_TYPE]        # [6, emb_dim]
    dir_table = embedding[NUM_BOND_TYPE:]         # [3, emb_dim]
    out = jnp.take(type_table, edge_attr[:, 0], axis=0) + jnp.take(dir_table, edge_attr[:, 1], axis=0)
    return out

if __name__ == "__main__":
    import jax
    _d = setup_inputs()
    print(jax.jit(kernel)(*tuple(_d.values())))

</pallas_src>

<mosaic_0001>
#map = affine_map<(d0, d1) -> (0)>
#map1 = affine_map<(d0, d1) -> (0, 0)>
module attributes {stable_mosaic.version = 14 : i64} {
  func.func @_sc_body(%arg0: i32, %arg1: i32, %arg2: memref<800000xi32, #tpu.memory_space<hbm>>, %arg3: memref<800000xi32, #tpu.memory_space<hbm>>, %arg4: memref<1152xf32, #tpu.memory_space<hbm>>, %arg5: memref<800000x64xf32, #tpu.memory_space<hbm>>, %arg6: memref<400xi32, #tpu.memory_space<vmem>>, %arg7: memref<400xi32, #tpu.memory_space<vmem>>, %arg8: memref<400xi32, #tpu.memory_space<vmem>>, %arg9: memref<400xi32, #tpu.memory_space<vmem>>, %arg10: memref<1152xf32, #tpu.memory_space<vmem>>, %arg11: memref<400xi32, #tpu.memory_space<vmem>>, %arg12: memref<400x64xf32, #tpu.memory_space<vmem>>, %arg13: memref<400x64xf32, #tpu.memory_space<vmem>>, %arg14: memref<!tpu.dma_semaphore, #tpu.memory_space<semaphore_mem>>, %arg15: memref<!tpu.dma_semaphore, #tpu.memory_space<semaphore_mem>>, %arg16: memref<!tpu.dma_semaphore, #tpu.memory_space<semaphore_mem>>, %arg17: memref<!tpu.dma_semaphore, #tpu.memory_space<semaphore_mem>>) attributes {dimension_semantics = [#tpu.dimension_semantics<core_parallel>, #tpu.dimension_semantics<subcore_parallel>], iteration_bounds = array<i64: 2, 16>, scalar_prefetch = 0 : i64, scratch_operands = 12 : i64, tpu.core_type = #tpu.core_type<sc_vector_subcore>, window_params = [{transform_indices = #map}, {transform_indices = #map}, {transform_indices = #map}, {transform_indices = #map1}]} {
    %mul3A = arith.constant 2 : i32
    %mul3A_0 = arith.muli %arg1, %mul3A : i32
    %add3A = arith.addi %mul3A_0, %arg0 : i32
    "tpu.region"() ({
      %run_scoped3A = tpu.sem_alloc : memref<!tpu.dma_semaphore, #tpu.memory_space<semaphore_mem>>
      tpu.enqueue_dma source(%arg4 : memref<1152xf32, #tpu.memory_space<hbm>>) target(%arg10 : memref<1152xf32, #tpu.memory_space<vmem>>) target_semaphore(%run_scoped3A : memref<!tpu.dma_semaphore, #tpu.memory_space<semaphore_mem>>)
      tpu.wait_dma2 semaphore(%run_scoped3A : memref<!tpu.dma_semaphore, #tpu.memory_space<semaphore_mem>>) src(%arg4 : memref<1152xf32, #tpu.memory_space<hbm>>) dst(%arg10 : memref<1152xf32, #tpu.memory_space<vmem>>)
      tpu.yield
    }) : () -> ()
    %iota3A = tpu.iota {dimensions = array<i32: 0>} : vector<16xi32>
    %add3A_1 = arith.constant 0 : i32
    %add3A_2 = arith.addi %add3A, %add3A_1 : i32
    %lt3A = arith.constant 2000 : i32
    %lt3A_3 = arith.cmpi slt, %add3A_2, %lt3A : i32
    %convert_element_type3A = arith.extui %lt3A_3 : i1 to i32
    %cond3A = arith.constant 0 : i32
    %cond3A_4 = arith.cmpi ne, %convert_element_type3A, %cond3A : i32
    scf.if %cond3A_4 {
      %mul3A_21 = arith.constant 400 : i32
      %mul3A_22 = arith.muli %add3A_2, %mul3A_21 : i32
      %multiple_of3A = tpu.assume_multiple %mul3A_22, 8 : i32
      %dma_start3A = tpu.memref_slice %arg2[%multiple_of3A] : memref<800000xi32, #tpu.memory_space<hbm>> -> memref<400xi32, #tpu.memory_space<hbm>>
      %dma_start3A_23 = tpu.memref_slice %arg2[%multiple_of3A] : memref<800000xi32, #tpu.memory_space<hbm>> -> memref<400xi32, #tpu.memory_space<hbm>>
      tpu.enqueue_dma source(%dma_start3A_23 : memref<400xi32, #tpu.memory_space<hbm>>) target(%arg6 : memref<400xi32, #tpu.memory_space<vmem>>) target_semaphore(%arg14 : memref<!tpu.dma_semaphore, #tpu.memory_space<semaphore_mem>>)
      %dma_start3A_24 = tpu.memref_slice %arg3[%multiple_of3A] : memref<800000xi32, #tpu.memory_space<hbm>> -> memref<400xi32, #tpu.memory_space<hbm>>
      %dma_start3A_25 = tpu.memref_slice %arg3[%multiple_of3A] : memref<800000xi32, #tpu.memory_space<hbm>> -> memref<400xi32, #tpu.memory_space<hbm>>
      tpu.enqueue_dma source(%dma_start3A_25 : memref<400xi32, #tpu.memory_space<hbm>>) target(%arg8 : memref<400xi32, #tpu.memory_space<vmem>>) target_semaphore(%arg14 : memref<!tpu.dma_semaphore, #tpu.memory_space<semaphore_mem>>)
    } else {
    }
    %scan3A = arith.constant 0 : i32
    %scan3A_5 = arith.constant 0 : i32
    %scan3A_6 = arith.constant 32 : i32
    %scan3A_7 = arith.addi %scan3A_5, %scan3A_6 : i32
    %scan3A_8 = arith.constant 1 : i32
    scf.for %scan3A_21 = %scan3A_5 to %scan3A_7 step %scan3A_8  : i32 {
      %mul3A_22 = arith.constant 2 : i32
      %mul3A_23 = arith.muli %scan3A_21, %mul3A_22 : i32
      %add3A_24 = arith.constant 0 : i32
      %add3A_25 = arith.addi %mul3A_23, %add3A_24 : i32
      %mul3A_26 = arith.constant 32 : i32
      %mul3A_27 = arith.muli %add3A_25, %mul3A_26 : i32
      %add3A_28 = arith.addi %add3A, %mul3A_27 : i32
      %lt3A_29 = arith.constant 2000 : i32
      %lt3A_30 = arith.cmpi slt, %add3A_28, %lt3A_29 : i32
      %convert_element_type3A_31 = arith.extui %lt3A_30 : i1 to i32
      %cond3A_32 = arith.constant 0 : i32
      %cond3A_33 = arith.cmpi ne, %convert_element_type3A_31, %cond3A_32 : i32
      scf.if %cond3A_33 {
        %mul3A_46 = arith.constant 32 : i32
        %mul3A_47 = arith.muli %add3A_25, %mul3A_46 : i32
        %add3A_48 = arith.addi %add3A, %mul3A_47 : i32
        %mul3A_49 = arith.constant 400 : i32
        %mul3A_50 = arith.muli %add3A_48, %mul3A_49 : i32
        %multiple_of3A = tpu.assume_multiple %mul3A_50, 8 : i32
        %dma_wait3A_51 = arith.constant 0 : i32
        %dma_wait3A_52 = tpu.memref_slice %arg2[%dma_wait3A_51] : memref<800000xi32, #tpu.memory_space<hbm>> -> memref<400xi32, #tpu.memory_space<hbm>>
        %dma_wait3A_53 = arith.constant 0 : i32
        %dma_wait3A_54 = tpu.memref_slice %arg2[%dma_wait3A_53] : memref<800000xi32, #tpu.memory_space<hbm>> -> memref<400xi32, #tpu.memory_space<hbm>>
        tpu.wait_dma2 semaphore(%arg14 : memref<!tpu.dma_semaphore, #tpu.memory_space<semaphore_mem>>) src(%dma_wait3A_54 : memref<400xi32, #tpu.memory_space<hbm>>) dst(%arg6 : memref<400xi32, #tpu.memory_space<vmem>>)
        %dma_wait3A_55 = arith.constant 0 : i32
        %dma_wait3A_56 = tpu.memref_slice %arg3[%dma_wait3A_55] : memref<800000xi32, #tpu.memory_space<hbm>> -> memref<400xi32, #tpu.memory_space<hbm>>
        %dma_wait3A_57 = arith.constant 0 : i32
        %dma_wait3A_58 = tpu.memref_slice %arg3[%dma_wait3A_57] : memref<800000xi32, #tpu.memory_space<hbm>> -> memref<400xi32, #tpu.memory_space<hbm>>
        tpu.wait_dma2 semaphore(%arg14 : memref<!tpu.dma_semaphore, #tpu.memory_space<semaphore_mem>>) src(%dma_wait3A_58 : memref<400xi32, #tpu.memory_space<hbm>>) dst(%arg8 : memref<400xi32, #tpu.memory_space<vmem>>)
        %add3A_59 = arith.constant 1 : i32
        %add3A_60 = arith.addi %add3A_25, %add3A_59 : i32
        %mul3A_61 = arith.constant 32 : i32
        %mul3A_62 = arith.muli %add3A_60, %mul3A_61 : i32
        %add3A_63 = arith.addi %add3A, %mul3A_62 : i32
        %lt3A_64 = arith.constant 2000 : i32
        %lt3A_65 = arith.cmpi slt, %add3A_63, %lt3A_64 : i32
        %convert_element_type3A_66 = arith.extui %lt3A_65 : i1 to i32
        %cond3A_67 = arith.constant 0 : i32
        %cond3A_68 = arith.cmpi ne, %convert_element_type3A_66, %cond3A_67 : i32
        scf.if %cond3A_68 {
          %mul3A_552 = arith.constant 400 : i32
          %mul3A_553 = arith.muli %add3A_63, %mul3A_552 : i32
          %multiple_of3A_554 = tpu.assume_multiple %mul3A_553, 8 : i32
          %dma_start3A_555 = tpu.memref_slice %arg2[%multiple_of3A_554] : memref<800000xi32, #tpu.memory_space<hbm>> -> memref<400xi32, #tpu.memory_space<hbm>>
          %dma_start3A_556 = tpu.memref_slice %arg2[%multiple_of3A_554] : memref<800000xi32, #tpu.memory_space<hbm>> -> memref<400xi32, #tpu.memory_space<hbm>>
          tpu.enqueue_dma source(%dma_start3A_556 : memref<400xi32, #tpu.memory_space<hbm>>) target(%arg7 : memref<400xi32, #tpu.memory_space<vmem>>) target_semaphore(%arg15 : memref<!tpu.dma_semaphore, #tpu.memory_space<semaphore_mem>>)
          %dma_start3A_557 = tpu.memref_slice %arg3[%multiple_of3A_554] : memref<800000xi32, #tpu.memory_space<hbm>> -> memref<400xi32, #tpu.memory_space<hbm>>
          %dma_start3A_558 = tpu.memref_slice %arg3[%multiple_of3A_554] : memref<800000xi32, #tpu.memory_space<hbm>> -> memref<400xi32, #tpu.memory_space<hbm>>
          tpu.enqueue_dma source(%dma_start3A_558 : memref<400xi32, #tpu.memory_space<hbm>>) target(%arg9 : memref<400xi32, #tpu.memory_space<vmem>>) target_semaphore(%arg15 : memref<!tpu.dma_semaphore, #tpu.memory_space<semaphore_mem>>)
        } else {
        }
        %ge3A = arith.constant 1 : i32
        %ge3A_69 = arith.cmpi sge, %scan3A_21, %ge3A : i32
        %convert_element_type3A_70 = arith.extui %ge3A_69 : i1 to i32
        %cond3A_71 = arith.constant 0 : i32
        %cond3A_72 = arith.cmpi ne, %convert_element_type3A_70, %cond3A_71 : i32
        scf.if %cond3A_72 {
          %dma_wait3A_552 = arith.constant 0 : i32
          %dma_wait3A_553 = arith.constant 0 : i32
          %dma_wait3A_554 = tpu.memref_slice %arg5[%dma_wait3A_552, %dma_wait3A_553] : memref<800000x64xf32, #tpu.memory_space<hbm>> -> memref<400x64xf32, #tpu.memory_space<hbm>>
          %dma_wait3A_555 = arith.constant 0 : i32
          %dma_wait3A_556 = arith.constant 0 : i32
          %dma_wait3A_557 = tpu.memref_slice %arg5[%dma_wait3A_555, %dma_wait3A_556] : memref<800000x64xf32, #tpu.memory_space<hbm>> -> memref<400x64xf32, #tpu.memory_space<hbm>>
          tpu.wait_dma2 semaphore(%arg16 : memref<!tpu.dma_semaphore, #tpu.memory_space<semaphore_mem>>) src(%dma_wait3A_557 : memref<400x64xf32, #tpu.memory_space<hbm>>) dst(%arg12 : memref<400x64xf32, #tpu.memory_space<vmem>>)
        } else {
        }
        %get3A = arith.constant 0 : index
        %get3A_73 = tpu.vector_load %arg6[%get3A] {strides = array<i32>} : memref<400xi32, #tpu.memory_space<vmem>>, vector<16xi32>,
        %get3A_74 = arith.constant 0 : index
        %get3A_75 = tpu.vector_load %arg8[%get3A_74] {strides = array<i32>} : memref<400xi32, #tpu.memory_space<vmem>>, vector<16xi32>,
        %mul3A_76 = arith.constant 3 : i32
        %mul3A_77 = vector.broadcast %mul3A_76 : i32 to vector<16xi32>
        %mul3A_78 = arith.muli %get3A_73, %mul3A_77 : vector<16xi32>
        %add3A_79 = arith.addi %mul3A_78, %get3A_75 : vector<16xi32>
        %jit3A = arith.constant 0 : i32
        %jit3A_80 = arith.constant 17 : i32
        %max3A = vector.broadcast %jit3A : i32 to vector<16xi32>
        %max3A_81 = arith.maxsi %max3A, %add3A_79 : vector<16xi32>
        %min3A = vector.broadcast %jit3A_80 : i32 to vector<16xi32>
        %min3A_82 = arith.minsi %min3A, %max3A_81 : vector<16xi32>
        %mul3A_83 = arith.constant 64 : i32
        %mul3A_84 = vector.broadcast %mul3A_83 : i32 to vector<16xi32>
        %mul3A_85 = arith.muli %min3A_82, %mul3A_84 : vector<16xi32>
        %swap3A = arith.constant 0 : index
        %swap3A_86 = tpu.vector_load %arg11[%swap3A] {strides = array<i32>} : memref<400xi32, #tpu.memory_space<vmem>>, vector<16xi32>,
        tpu.vector_store %arg11[%swap3A], %mul3A_85 {strides = array<i32>} : memref<400xi32, #tpu.memory_space<vmem>>, vector<16xi32>,
        %get3A_87 = arith.constant 16 : index
        %get3A_88 = tpu.vector_load %arg6[%get3A_87] {strides = array<i32>} : memref<400xi32, #tpu.memory_space<vmem>>, vector<16xi32>,
        %get3A_89 = arith.constant 16 : index
        %get3A_90 = tpu.vector_load %arg8[%get3A_89] {strides = array<i32>} : memref<400xi32, #tpu.memory_space<vmem>>, vector<16xi32>,
        %mul3A_91 = arith.constant 3 : i32
        %mul3A_92 = vector.broadcast %mul3A_91 : i32 to vector<16xi32>
        %mul3A_93 = arith.muli %get3A_88, %mul3A_92 : vector<16xi32>
        %add3A_94 = arith.addi %mul3A_93, %get3A_90 : vector<16xi32>
        %jit3A_95 = arith.constant 0 : i32
        %jit3A_96 = arith.constant 17 : i32
        %max3A_97 = vector.broadcast %jit3A_95 : i32 to vector<16xi32>
        %max3A_98 = arith.maxsi %max3A_97, %add3A_94 : vector<16xi32>
        %min3A_99 = vector.broadcast %jit3A_96 : i32 to vector<16xi32>
        %min3A_100 = arith.minsi %min3A_99, %max3A_98 : vector<16xi32>
        %mul3A_101 = arith.constant 64 : i32
        %mul3A_102 = vector.broadcast %mul3A_101 : i32 to vector<16xi32>
        %mul3A_103 = arith.muli %min3A_100, %mul3A_102 : vector<16xi32>
        %swap3A_104 = arith.constant 16 : index
        %swap3A_105 = tpu.vector_load %arg11[%swap3A_104] {strides = array<i32>} : memref<400xi32, #tpu.memory_space<vmem>>, vector<16xi32>,
        tpu.vector_store %arg11[%swap3A_104], %mul3A_103 {strides = array<i32>} : memref<400xi32, #tpu.memory_space<vmem>>, vector<16xi32>,
        %get3A_106 = arith.constant 32 : index
        %get3A_107 = tpu.vector_load %arg6[%get3A_106] {strides = array<i32>} : memref<400xi32, #tpu.memory_space<vmem>>, vector<16xi32>,
        %get3A_108 = arith.constant 32 : index
        %get3A_109 = tpu.vector_load %arg8[%get3A_108] {strides = array<i32>} : memref<400xi32, #tpu.memory_space<vmem>>, vector<16xi32>,
        %mul3A_110 = arith.constant 3 : i32
        %mul3A_111 = vector.broadcast %mul3A_110 : i32 to vector<16xi32>
        %mul3A_112 = arith.muli %get3A_107, %mul3A_111 : vector<16xi32>
        %add3A_113 = arith.addi %mul3A_112, %get3A_109 : vector<16xi32>
        %jit3A_114 = arith.constant 0 : i32
        %jit3A_115 = arith.constant 17 : i32
        %max3A_116 = vector.broadcast %jit3A_114 : i32 to vector<16xi32>
        %max3A_117 = arith.maxsi %max3A_116, %add3A_113 : vector<16xi32>
        %min3A_118 = vector.broadcast %jit3A_115 : i32 to vector<16xi32>
        %min3A_119 = arith.minsi %min3A_118, %max3A_117 : vector<16xi32>
        %mul3A_120 = arith.constant 64 : i32
        %mul3A_121 = vector.broadcast %mul3A_120 : i32 to vector<16xi32>
        %mul3A_122 = arith.muli %min3A_119, %mul3A_121 : vector<16xi32>
        %swap3A_123 = arith.constant 32 : index
        %swap3A_124 = tpu.vector_load %arg11[%swap3A_123] {strides = array<i32>} : memref<400xi32, #tpu.memory_space<vmem>>, vector<16xi32>,
        tpu.vector_store %arg11[%swap3A_123], %mul3A_122 {strides = array<i32>} : memref<400xi32, #tpu.memory_space<vmem>>, vector<16xi32>,
        %get3A_125 = arith.constant 48 : index
        %get3A_126 = tpu.vector_load %arg6[%get3A_125] {strides = array<i32>} : memref<400xi32, #tpu.memory_space<vmem>>, vector<16xi32>,
        %get3A_127 = arith.constant 48 : index
        %get3A_128 = tpu.vector_load %arg8[%get3A_127] {strides = array<i32>} : memref<400xi32, #tpu.memory_space<vmem>>, vector<16xi32>,
        %mul3A_129 = arith.constant 3 : i32
        %mul3A_130 = vector.broadcast %mul3A_129 : i32 to vector<16xi32>
        %mul3A_131 = arith.muli %get3A_126, %mul3A_130 : vector<16xi32>
        %add3A_132 = arith.addi %mul3A_131, %get3A_128 : vector<16xi32>
        %jit3A_133 = arith.constant 0 : i32
        %jit3A_134 = arith.constant 17 : i32
        %max3A_135 = vector.broadcast %jit3A_133 : i32 to vector<16xi32>
        %max3A_136 = arith.maxsi %max3A_135, %add3A_132 : vector<16xi32>
        %min3A_137 = vector.broadcast %jit3A_134 : i32 to vector<16xi32>
        %min3A_138 = arith.minsi %min3A_137, %max3A_136 : vector<16xi32>
        %mul3A_139 = arith.constant 64 : i32
        %mul3A_140 = vector.broadcast %mul3A_139 : i32 to vector<16xi32>
        %mul3A_141 = arith.muli %min3A_138, %mul3A_140 : vector<16xi32>
        %swap3A_142 = arith.constant 48 : index
        %swap3A_143 = tpu.vector_load %arg11[%swap3A_142] {strides = array<i32>} : memref<400xi32, #tpu.memory_space<vmem>>, vector<16xi32>,
        tpu.vector_store %arg11[%swap3A_142], %mul3A_141 {strides = array<i32>} : memref<400xi32, #tpu.memory_space<vmem>>, vector<16xi32>,
        %get3A_144 = arith.constant 64 : index
        %get3A_145 = tpu.vector_load %arg6[%get3A_144] {strides = array<i32>} : memref<400xi32, #tpu.memory_space<vmem>>, vector<16xi32>,
        %get3A_146 = arith.constant 64 : index
        %get3A_147 = tpu.vector_load %arg8[%get3A_146] {strides = array<i32>} : memref<400xi32, #tpu.memory_space<vmem>>, vector<16xi32>,
        %mul3A_148 = arith.constant 3 : i32
        %mul3A_149 = vector.broadcast %mul3A_148 : i32 to vector<16xi32>
        %mul3A_150 = arith.muli %get3A_145, %mul3A_149 : vector<16xi32>
        %add3A_151 = arith.addi %mul3A_150, %get3A_147 : vector<16xi32>
        %jit3A_152 = arith.constant 0 : i32
        %jit3A_153 = arith.constant 17 : i32
        %max3A_154 = vector.broadcast %jit3A_152 : i32 to vector<16xi32>
        %max3A_155 = arith.maxsi %max3A_154, %add3A_151 : vector<16xi32>
        %min3A_156 = vector.broadcast %jit3A_153 : i32 to vector<16xi32>
        %min3A_157 = arith.minsi %min3A_156, %max3A_155 : vector<16xi32>
        %mul3A_158 = arith.constant 64 : i32
        %mul3A_159 = vector.broadcast %mul3A_158 : i32 to vector<16xi32>
        %mul3A_160 = arith.muli %min3A_157, %mul3A_159 : vector<16xi32>
        %swap3A_161 = arith.constant 64 : index
        %swap3A_162 = tpu.vector_load %arg11[%swap3A_161] {strides = array<i32>} : memref<400xi32, #tpu.memory_space<vmem>>, vector<16xi32>,
        tpu.vector_store %arg11[%swap3A_161], %mul3A_160 {strides = array<i32>} : memref<400xi32, #tpu.memory_space<vmem>>, vector<16xi32>,
        %get3A_163 = arith.constant 80 : index
        %get3A_164 = tpu.vector_load %arg6[%get3A_163] {strides = array<i32>} : memref<400xi32, #tpu.memory_space<vmem>>, vector<16xi32>,
        %get3A_165 = arith.constant 80 : index
        %get3A_166 = tpu.vector_load %arg8[%get3A_165] {strides = array<i32>} : memref<400xi32, #tpu.memory_space<vmem>>, vector<16xi32>,
        %mul3A_167 = arith.constant 3 : i32
        %mul3A_168 = vector.broadcast %mul3A_167 : i32 to vector<16xi32>
        %mul3A_169 = arith.muli %get3A_164, %mul3A_168 : vector<16xi32>
        %add3A_170 = arith.addi %mul3A_169, %get3A_166 : vector<16xi32>
        %jit3A_171 = arith.constant 0 : i32
        %jit3A_172 = arith.constant 17 : i32
        %max3A_173 = vector.broadcast %jit3A_171 : i32 to vector<16xi32>
        %max3A_174 = arith.maxsi %max3A_173, %add3A_170 : vector<16xi32>
        %min3A_175 = vector.broadcast %jit3A_172 : i32 to vector<16xi32>
        %min3A_176 = arith.minsi %min3A_175, %max3A_174 : vector<16xi32>
        %mul3A_177 = arith.constant 64 : i32
        %mul3A_178 = vector.broadcast %mul3A_177 : i32 to vector<16xi32>
        %mul3A_179 = arith.muli %min3A_176, %mul3A_178 : vector<16xi32>
        %swap3A_180 = arith.constant 80 : index
        %swap3A_181 = tpu.vector_load %arg11[%swap3A_180] {strides = array<i32>} : memref<400xi32, #tpu.memory_space<vmem>>, vector<16xi32>,
        tpu.vector_store %arg11[%swap3A_180], %mul3A_179 {strides = array<i32>} : memref<400xi32, #tpu.memory_space<vmem>>, vector<16xi32>,
        %get3A_182 = arith.constant 96 : index
        %get3A_183 = tpu.vector_load %arg6[%get3A_182] {strides = array<i32>} : memref<400xi32, #tpu.memory_space<vmem>>, vector<16xi32>,
        %get3A_184 = arith.constant 96 : index
        %get3A_185 = tpu.vector_load %arg8[%get3A_184] {strides = array<i32>} : memref<400xi32, #tpu.memory_space<vmem>>, vector<16xi32>,
        %mul3A_186 = arith.constant 3 : i32
        %mul3A_187 = vector.broadcast %mul3A_186 : i32 to vector<16xi32>
        %mul3A_188 = arith.muli %get3A_183, %mul3A_187 : vector<16xi32>
        %add3A_189 = arith.addi %mul3A_188, %get3A_185 : vector<16xi32>
        %jit3A_190 = arith.constant 0 : i32
        %jit3A_191 = arith.constant 17 : i32
        %max3A_192 = vector.broadcast %jit3A_190 : i32 to vector<16xi32>
        %max3A_193 = arith.maxsi %max3A_192, %add3A_189 : vector<16xi32>
        %min3A_194 = vector.broadcast %jit3A_191 : i32 to vector<16xi32>
        %min3A_195 = arith.minsi %min3A_194, %max3A_193 : vector<16xi32>
        %mul3A_196 = arith.constant 64 : i32
        %mul3A_197 = vector.broadcast %mul3A_196 : i32 to vector<16xi32>
        %mul3A_198 = arith.muli %min3A_195, %mul3A_197 : vector<16xi32>
        %swap3A_199 = arith.constant 96 : index
        %swap3A_200 = tpu.vector_load %arg11[%swap3A_199] {strides = array<i32>} : memref<400xi32, #tpu.memory_space<vmem>>, vector<16xi32>,
        tpu.vector_store %arg11[%swap3A_199], %mul3A_198 {strides = array<i32>} : memref<400xi32, #tpu.memory_space<vmem>>, vector<16xi32>,
        %get3A_201 = arith.constant 112 : index
        %get3A_202 = tpu.vector_load %arg6[%get3A_201] {strides = array<i32>} : memref<400xi32, #tpu.memory_space<vmem>>, vector<16xi32>,
        %get3A_203 = arith.constant 112 : index
        %get3A_204 = tpu.vector_load %arg8[%get3A_203] {strides = array<i32>} : memref<400xi32, #tpu.memory_space<vmem>>, vector<16xi32>,
        %mul3A_205 = arith.constant 3 : i32
        %mul3A_206 = vector.broadcast %mul3A_205 : i32 to vector<16xi32>
        %mul3A_207 = arith.muli %get3A_202, %mul3A_206 : vector<16xi32>
        %add3A_208 = arith.addi %mul3A_207, %get3A_204 : vector<16xi32>
        %jit3A_209 = arith.constant 0 : i32
        %jit3A_210 = arith.constant 17 : i32
        %max3A_211 = vector.broadcast %jit3A_209 : i32 to vector<16xi32>
        %max3A_212 = arith.maxsi %max3A_211, %add3A_208 : vector<16xi32>
        %min3A_213 = vector.broadcast %jit3A_210 : i32 to vector<16xi32>
        %min3A_214 = arith.minsi %min3A_213, %max3A_212 : vector<16xi32>
        %mul3A_215 = arith.constant 64 : i32
        %mul3A_216 = vector.broadcast %mul3A_215 : i32 to vector<16xi32>
        %mul3A_217 = arith.muli %min3A_214, %mul3A_216 : vector<16xi32>
        %swap3A_218 = arith.constant 112 : index
        %swap3A_219 = tpu.vector_load %arg11[%swap3A_218] {strides = array<i32>} : memref<400xi32, #tpu.memory_space<vmem>>, vector<16xi32>,
        tpu.vector_store %arg11[%swap3A_218], %mul3A_217 {strides = array<i32>} : memref<400xi32, #tpu.memory_space<vmem>>, vector<16xi32>,
        %get3A_220 = arith.constant 128 : index
        %get3A_221 = tpu.vector_load %arg6[%get3A_220] {strides = array<i32>} : memref<400xi32, #tpu.memory_space<vmem>>, vector<16xi32>,
        %get3A_222 = arith.constant 128 : index
        %get3A_223 = tpu.vector_load %arg8[%get3A_222] {strides = array<i32>} : memref<400xi32, #tpu.memory_space<vmem>>, vector<16xi32>,
        %mul3A_224 = arith.constant 3 : i32
        %mul3A_225 = vector.broadcast %mul3A_224 : i32 to vector<16xi32>
        %mul3A_226 = arith.muli %get3A_221, %mul3A_225 : vector<16xi32>
        %add3A_227 = arith.addi %mul3A_226, %get3A_223 : vector<16xi32>
        %jit3A_228 = arith.constant 0 : i32
        %jit3A_229 = arith.constant 17 : i32
        %max3A_230 = vector.broadcast %jit3A_228 : i32 to vector<16xi32>
        %max3A_231 = arith.maxsi %max3A_230, %add3A_227 : vector<16xi32>
        %min3A_232 = vector.broadcast %jit3A_229 : i32 to vector<16xi32>
        %min3A_233 = arith.minsi %min3A_232, %max3A_231 : vector<16xi32>
        %mul3A_234 = arith.constant 64 : i32
        %mul3A_235 = vector.broadcast %mul3A_234 : i32 to vector<16xi32>
        %mul3A_236 = arith.muli %min3A_233, %mul3A_235 : vector<16xi32>
        %swap3A_237 = arith.constant 128 : index
        %swap3A_238 = tpu.vector_load %arg11[%swap3A_237] {strides = array<i32>} : memref<400xi32, #tpu.memory_space<vmem>>, vector<16xi32>,
        tpu.vector_store %arg11[%swap3A_237], %mul3A_236 {strides = array<i32>} : memref<400xi32, #tpu.memory_space<vmem>>, vector<16xi32>,
        %get3A_239 = arith.constant 144 : index
        %get3A_240 = tpu.vector_load %arg6[%get3A_239] {strides = array<i32>} : memref<400xi32, #tpu.memory_space<vmem>>, vector<16xi32>,
        %get3A_241 = arith.constant 144 : index
        %get3A_242 = tpu.vector_load %arg8[%get3A_241] {strides = array<i32>} : memref<400xi32, #tpu.memory_space<vmem>>, vector<16xi32>,
        %mul3A_243 = arith.constant 3 : i32
        %mul3A_244 = vector.broadcast %mul3A_243 : i32 to vector<16xi32>
        %mul3A_245 = arith.muli %get3A_240, %mul3A_244 : vector<16xi32>
        %add3A_246 = arith.addi %mul3A_245, %get3A_242 : vector<16xi32>
        %jit3A_247 = arith.constant 0 : i32
        %jit3A_248 = arith.constant 17 : i32
        %max3A_249 = vector.broadcast %jit3A_247 : i32 to vector<16xi32>
        %max3A_250 = arith.maxsi %max3A_249, %add3A_246 : vector<16xi32>
        %min3A_251 = vector.broadcast %jit3A_248 : i32 to vector<16xi32>
        %min3A_252 = arith.minsi %min3A_251, %max3A_250 : vector<16xi32>
        %mul3A_253 = arith.constant 64 : i32
        %mul3A_254 = vector.broadcast %mul3A_253 : i32 to vector<16xi32>
        %mul3A_255 = arith.muli %min3A_252, %mul3A_254 : vector<16xi32>
        %swap3A_256 = arith.constant 144 : index
        %swap3A_257 = tpu.vector_load %arg11[%swap3A_256] {strides = array<i32>} : memref<400xi32, #tpu.memory_space<vmem>>, vector<16xi32>,
        tpu.vector_store %arg11[%swap3A_256], %mul3A_255 {strides = array<i32>} : memref<400xi32, #tpu.memory_space<vmem>>, vector<16xi32>,
        %get3A_258 = arith.constant 160 : index
        %get3A_259 = tpu.vector_load %arg6[%get3A_258] {strides = array<i32>} : memref<400xi32, #tpu.memory_space<vmem>>, vector<16xi32>,
        %get3A_260 = arith.constant 160 : index
        %get3A_261 = tpu.vector_load %arg8[%get3A_260] {strides = array<i32>} : memref<400xi32, #tpu.memory_space<vmem>>, vector<16xi32>,
        %mul3A_262 = arith.constant 3 : i32
        %mul3A_263 = vector.broadcast %mul3A_262 : i32 to vector<16xi32>
        %mul3A_264 = arith.muli %get3A_259, %mul3A_263 : vector<16xi32>
        %add3A_265 = arith.addi %mul3A_264, %get3A_261 : vector<16xi32>
        %jit3A_266 = arith.constant 0 : i32
        %jit3A_267 = arith.constant 17 : i32
        %max3A_268 = vector.broadcast %jit3A_266 : i32 to vector<16xi32>
        %max3A_269 = arith.maxsi %max3A_268, %add3A_265 : vector<16xi32>
        %min3A_270 = vector.broadcast %jit3A_267 : i32 to vector<16xi32>
        %min3A_271 = arith.minsi %min3A_270, %max3A_269 : vector<16xi32>
        %mul3A_272 = arith.constant 64 : i32
        %mul3A_273 = vector.broadcast %mul3A_272 : i32 to vector<16xi32>
        %mul3A_274 = arith.muli %min3A_271, %mul3A_273 : vector<16xi32>
        %swap3A_275 = arith.constant 160 : index
        %swap3A_276 = tpu.vector_load %arg11[%swap3A_275] {strides = array<i32>} : memref<400xi32, #tpu.memory_space<vmem>>, vector<16xi32>,
        tpu.vector_store %arg11[%swap3A_275], %mul3A_274 {strides = array<i32>} : memref<400xi32, #tpu.memory_space<vmem>>, vector<16xi32>,
        %get3A_277 = arith.constant 176 : index
        %get3A_278 = tpu.vector_load %arg6[%get3A_277] {strides = array<i32>} : memref<400xi32, #tpu.memory_space<vmem>>, vector<16xi32>,
        %get3A_279 = arith.constant 176 : index
        %get3A_280 = tpu.vector_load %arg8[%get3A_279] {strides = array<i32>} : memref<400xi32, #tpu.memory_space<vmem>>, vector<16xi32>,
        %mul3A_281 = arith.constant 3 : i32
        %mul3A_282 = vector.broadcast %mul3A_281 : i32 to vector<16xi32>
        %mul3A_283 = arith.muli %get3A_278, %mul3A_282 : vector<16xi32>
        %add3A_284 = arith.addi %mul3A_283, %get3A_280 : vector<16xi32>
        %jit3A_285 = arith.constant 0 : i32
        %jit3A_286 = arith.constant 17 : i32
        %max3A_287 = vector.broadcast %jit3A_285 : i32 to vector<16xi32>
        %max3A_288 = arith.maxsi %max3A_287, %add3A_284 : vector<16xi32>
        %min3A_289 = vector.broadcast %jit3A_286 : i32 to vector<16xi32>
        %min3A_290 = arith.minsi %min3A_289, %max3A_288 : vector<16xi32>
        %mul3A_291 = arith.constant 64 : i32
        %mul3A_292 = vector.broadcast %mul3A_291 : i32 to vector<16xi32>
        %mul3A_293 = arith.muli %min3A_290, %mul3A_292 : vector<16xi32>
        %swap3A_294 = arith.constant 176 : index
        %swap3A_295 = tpu.vector_load %arg11[%swap3A_294] {strides = array<i32>} : memref<400xi32, #tpu.memory_space<vmem>>, vector<16xi32>,
        tpu.vector_store %arg11[%swap3A_294], %mul3A_293 {strides = array<i32>} : memref<400xi32, #tpu.memory_space<vmem>>, vector<16xi32>,
        %get3A_296 = arith.constant 192 : index
        %get3A_297 = tpu.vector_load %arg6[%get3A_296] {strides = array<i32>} : memref<400xi32, #tpu.memory_space<vmem>>, vector<16xi32>,
        %get3A_298 = arith.constant 192 : index
        %get3A_299 = tpu.vector_load %arg8[%get3A_298] {strides = array<i32>} : memref<400xi32, #tpu.memory_space<vmem>>, vector<16xi32>,
        %mul3A_300 = arith.constant 3 : i32
        %mul3A_301 = vector.broadcast %mul3A_300 : i32 to vector<16xi32>
        %mul3A_302 = arith.muli %get3A_297, %mul3A_301 : vector<16xi32>
        %add3A_303 = arith.addi %mul3A_302, %get3A_299 : vector<16xi32>
        %jit3A_304 = arith.constant 0 : i32
        %jit3A_305 = arith.constant 17 : i32
        %max3A_306 = vector.broadcast %jit3A_304 : i32 to vector<16xi32>
        %max3A_307 = arith.maxsi %max3A_306, %add3A_303 : vector<16xi32>
        %min3A_308 = vector.broadcast %jit3A_305 : i32 to vector<16xi32>
        %min3A_309 = arith.minsi %min3A_308, %max3A_307 : vector<16xi32>
        %mul3A_310 = arith.constant 64 : i32
        %mul3A_311 = vector.broadcast %mul3A_310 : i32 to vector<16xi32>
        %mul3A_312 = arith.muli %min3A_309, %mul3A_311 : vector<16xi32>
        %swap3A_313 = arith.constant 192 : index
        %swap3A_314 = tpu.vector_load %arg11[%swap3A_313] {strides = array<i32>} : memref<400xi32, #tpu.memory_space<vmem>>, vector<16xi32>,
        tpu.vector_store %arg11[%swap3A_313], %mul3A_312 {strides = array<i32>} : memref<400xi32, #tpu.memory_space<vmem>>, vector<16xi32>,
        %get3A_315 = arith.constant 208 : index
        %get3A_316 = tpu.vector_load %arg6[%get3A_315] {strides = array<i32>} : memref<400xi32, #tpu.memory_space<vmem>>, vector<16xi32>,
        %get3A_317 = arith.constant 208 : index
        %get3A_318 = tpu.vector_load %arg8[%get3A_317] {strides = array<i32>} : memref<400xi32, #tpu.memory_space<vmem>>, vector<16xi32>,
        %mul3A_319 = arith.constant 3 : i32
        %mul3A_320 = vector.broadcast %mul3A_319 : i32 to vector<16xi32>
        %mul3A_321 = arith.muli %get3A_316, %mul3A_320 : vector<16xi32>
        %add3A_322 = arith.addi %mul3A_321, %get3A_318 : vector<16xi32>
        %jit3A_323 = arith.constant 0 : i32
        %jit3A_324 = arith.constant 17 : i32
        %max3A_325 = vector.broadcast %jit3A_323 : i32 to vector<16xi32>
        %max3A_326 = arith.maxsi %max3A_325, %add3A_322 : vector<16xi32>
        %min3A_327 = vector.broadcast %jit3A_324 : i32 to vector<16xi32>
        %min3A_328 = arith.minsi %min3A_327, %max3A_326 : vector<16xi32>
        %mul3A_329 = arith.constant 64 : i32
        %mul3A_330 = vector.broadcast %mul3A_329 : i32 to vector<16xi32>
        %mul3A_331 = arith.muli %min3A_328, %mul3A_330 : vector<16xi32>
        %swap3A_332 = arith.constant 208 : index
        %swap3A_333 = tpu.vector_load %arg11[%swap3A_332] {strides = array<i32>} : memref<400xi32, #tpu.memory_space<vmem>>, vector<16xi32>,
        tpu.vector_store %arg11[%swap3A_332], %mul3A_331 {strides = array<i32>} : memref<400xi32, #tpu.memory_space<vmem>>, vector<16xi32>,
        %get3A_334 = arith.constant 224 : index
        %get3A_335 = tpu.vector_load %arg6[%get3A_334] {strides = array<i32>} : memref<400xi32, #tpu.memory_space<vmem>>, vector<16xi32>,
        %get3A_336 = arith.constant 224 : index
        %get3A_337 = tpu.vector_load %arg8[%get3A_336] {strides = array<i32>} : memref<400xi32, #tpu.memory_space<vmem>>, vector<16xi32>,
        %mul3A_338 = arith.constant 3 : i32
        %mul3A_339 = vector.broadcast %mul3A_338 : i32 to vector<16xi32>
        %mul3A_340 = arith.muli %get3A_335, %mul3A_339 : vector<16xi32>
        %add3A_341 = arith.addi %mul3A_340, %get3A_337 : vector<16xi32>
        %jit3A_342 = arith.constant 0 : i32
        %jit3A_343 = arith.constant 17 : i32
        %max3A_344 = vector.broadcast %jit3A_342 : i32 to vector<16xi32>
        %max3A_345 = arith.maxsi %max3A_344, %add3A_341 : vector<16xi32>
        %min3A_346 = vector.broadcast %jit3A_343 : i32 to vector<16xi32>
        %min3A_347 = arith.minsi %min3A_346, %max3A_345 : vector<16xi32>
        %mul3A_348 = arith.constant 64 : i32
        %mul3A_349 = vector.broadcast %mul3A_348 : i32 to vector<16xi32>
        %mul3A_350 = arith.muli %min3A_347, %mul3A_349 : vector<16xi32>
        %swap3A_351 = arith.constant 224 : index
        %swap3A_352 = tpu.vector_load %arg11[%swap3A_351] {strides = array<i32>} : memref<400xi32, #tpu.memory_space<vmem>>, vector<16xi32>,
        tpu.vector_store %arg11[%swap3A_351], %mul3A_350 {strides = array<i32>} : memref<400xi32, #tpu.memory_space<vmem>>, vector<16xi32>,
        %get3A_353 = arith.constant 240 : index
        %get3A_354 = tpu.vector_load %arg6[%get3A_353] {strides = array<i32>} : memref<400xi32, #tpu.memory_space<vmem>>, vector<16xi32>,
        %get3A_355 = arith.constant 240 : index
        %get3A_356 = tpu.vector_load %arg8[%get3A_355] {strides = array<i32>} : memref<400xi32, #tpu.memory_space<vmem>>, vector<16xi32>,
        %mul3A_357 = arith.constant 3 : i32
        %mul3A_358 = vector.broadcast %mul3A_357 : i32 to vector<16xi32>
        %mul3A_359 = arith.muli %get3A_354, %mul3A_358 : vector<16xi32>
        %add3A_360 = arith.addi %mul3A_359, %get3A_356 : vector<16xi32>
        %jit3A_361 = arith.constant 0 : i32
        %jit3A_362 = arith.constant 17 : i32
        %max3A_363 = vector.broadcast %jit3A_361 : i32 to vector<16xi32>
        %max3A_364 = arith.maxsi %max3A_363, %add3A_360 : vector<16xi32>
        %min3A_365 = vector.broadcast %jit3A_362 : i32 to vector<16xi32>
        %min3A_366 = arith.minsi %min3A_365, %max3A_364 : vector<16xi32>
        %mul3A_367 = arith.constant 64 : i32
        %mul3A_368 = vector.broadcast %mul3A_367 : i32 to vector<16xi32>
        %mul3A_369 = arith.muli %min3A_366, %mul3A_368 : vector<16xi32>
        %swap3A_370 = arith.constant 240 : index
        %swap3A_371 = tpu.vector_load %arg11[%swap3A_370] {strides = array<i32>} : memref<400xi32, #tpu.memory_space<vmem>>, vector<16xi32>,
        tpu.vector_store %arg11[%swap3A_370], %mul3A_369 {strides = array<i32>} : memref<400xi32, #tpu.memory_space<vmem>>, vector<16xi32>,
        %get3A_372 = arith.constant 256 : index
        %get3A_373 = tpu.vector_load %arg6[%get3A_372] {strides = array<i32>} : memref<400xi32, #tpu.memory_space<vmem>>, vector<16xi32>,
        %get3A_374 = arith.constant 256 : index
        %get3A_375 = tpu.vector_load %arg8[%get3A_374] {strides = array<i32>} : memref<400xi32, #tpu.memory_space<vmem>>, vector<16xi32>,
        %mul3A_376 = arith.constant 3 : i32
        %mul3A_377 = vector.broadcast %mul3A_376 : i32 to vector<16xi32>
        %mul3A_378 = arith.muli %get3A_373, %mul3A_377 : vector<16xi32>
        %add3A_379 = arith.addi %mul3A_378, %get3A_375 : vector<16xi32>
        %jit3A_380 = arith.constant 0 : i32
        %jit3A_381 = arith.constant 17 : i32
        %max3A_382 = vector.broadcast %jit3A_380 : i32 to vector<16xi32>
        %max3A_383 = arith.maxsi %max3A_382, %add3A_379 : vector<16xi32>
        %min3A_384 = vector.broadcast %jit3A_381 : i32 to vector<16xi32>
        %min3A_385 = arith.minsi %min3A_384, %max3A_383 : vector<16xi32>
        %mul3A_386 = arith.constant 64 : i32
        %mul3A_387 = vector.broadcast %mul3A_386 : i32 to vector<16xi32>
        %mul3A_388 = arith.muli %min3A_385, %mul3A_387 : vector<16xi32>
        %swap3A_389 = arith.constant 256 : index
        %swap3A_390 = tpu.vector_load %arg11[%swap3A_389] {strides = array<i32>} : memref<400xi32, #tpu.memory_space<vmem>>, vector<16xi32>,
        tpu.vector_store %arg11[%swap3A_389], %mul3A_388 {strides = array<i32>} : memref<400xi32, #tpu.memory_space<vmem>>, vector<16xi32>,
        %get3A_391 = arith.constant 272 : index
        %get3A_392 = tpu.vector_load %arg6[%get3A_391] {strides = array<i32>} : memref<400xi32, #tpu.memory_space<vmem>>, vector<16xi32>,
        %get3A_393 = arith.constant 272 : index
        %get3A_394 = tpu.vector_load %arg8[%get3A_393] {strides = array<i32>} : memref<400xi32, #tpu.memory_space<vmem>>, vector<16xi32>,
        %mul3A_395 = arith.constant 3 : i32
        %mul3A_396 = vector.broadcast %mul3A_395 : i32 to vector<16xi32>
        %mul3A_397 = arith.muli %get3A_392, %mul3A_396 : vector<16xi32>
        %add3A_398 = arith.addi %mul3A_397, %get3A_394 : vector<16xi32>
        %jit3A_399 = arith.constant 0 : i32
        %jit3A_400 = arith.constant 17 : i32
        %max3A_401 = vector.broadcast %jit3A_399 : i32 to vector<16xi32>
        %max3A_402 = arith.maxsi %max3A_401, %add3A_398 : vector<16xi32>
        %min3A_403 = vector.broadcast %jit3A_400 : i32 to vector<16xi32>
        %min3A_404 = arith.minsi %min3A_403, %max3A_402 : vector<16xi32>
        %mul3A_405 = arith.constant 64 : i32
        %mul3A_406 = vector.broadcast %mul3A_405 : i32 to vector<16xi32>
        %mul3A_407 = arith.muli %min3A_404, %mul3A_406 : vector<16xi32>
        %swap3A_408 = arith.constant 272 : index
        %swap3A_409 = tpu.vector_load %arg11[%swap3A_408] {strides = array<i32>} : memref<400xi32, #tpu.memory_space<vmem>>, vector<16xi32>,
        tpu.vector_store %arg11[%swap3A_408], %mul3A_407 {strides = array<i32>} : memref<400xi32, #tpu.memory_space<vmem>>, vector<16xi32>,
        %get3A_410 = arith.constant 288 : index
        %get3A_411 = tpu.vector_load %arg6[%get3A_410] {strides = array<i32>} : memref<400xi32, #tpu.memory_space<vmem>>, vector<16xi32>,
        %get3A_412 = arith.constant 288 : index
        %get3A_413 = tpu.vector_load %arg8[%get3A_412] {strides = array<i32>} : memref<400xi32, #tpu.memory_space<vmem>>, vector<16xi32>,
        %mul3A_414 = arith.constant 3 : i32
        %mul3A_415 = vector.broadcast %mul3A_414 : i32 to vector<16xi32>
        %mul3A_416 = arith.muli %get3A_411, %mul3A_415 : vector<16xi32>
        %add3A_417 = arith.addi %mul3A_416, %get3A_413 : vector<16xi32>
        %jit3A_418 = arith.constant 0 : i32
        %jit3A_419 = arith.constant 17 : i32
        %max3A_420 = vector.broadcast %jit3A_418 : i32 to vector<16xi32>
        %max3A_421 = arith.maxsi %max3A_420, %add3A_417 : vector<16xi32>
        %min3A_422 = vector.broadcast %jit3A_419 : i32 to vector<16xi32>
        %min3A_423 = arith.minsi %min3A_422, %max3A_421 : vector<16xi32>
        %mul3A_424 = arith.constant 64 : i32
        %mul3A_425 = vector.broadcast %mul3A_424 : i32 to vector<16xi32>
        %mul3A_426 = arith.muli %min3A_423, %mul3A_425 : vector<16xi32>
        %swap3A_427 = arith.constant 288 : index
        %swap3A_428 = tpu.vector_load %arg11[%swap3A_427] {strides = array<i32>} : memref<400xi32, #tpu.memory_space<vmem>>, vector<16xi32>,
        tpu.vector_store %arg11[%swap3A_427], %mul3A_426 {strides = array<i32>} : memref<400xi32, #tpu.memory_space<vmem>>, vector<16xi32>,
        %get3A_429 = arith.constant 304 : index
        %get3A_430 = tpu.vector_load %arg6[%get3A_429] {strides = array<i32>} : memref<400xi32, #tpu.memory_space<vmem>>, vector<16xi32>,
        %get3A_431 = arith.constant 304 : index
        %get3A_432 = tpu.vector_load %arg8[%get3A_431] {strides = array<i32>} : memref<400xi32, #tpu.memory_space<vmem>>, vector<16xi32>,
        %mul3A_433 = arith.constant 3 : i32
        %mul3A_434 = vector.broadcast %mul3A_433 : i32 to vector<16xi32>
        %mul3A_435 = arith.muli %get3A_430, %mul3A_434 : vector<16xi32>
        %add3A_436 = arith.addi %mul3A_435, %get3A_432 : vector<16xi32>
        %jit3A_437 = arith.constant 0 : i32
        %jit3A_438 = arith.constant 17 : i32
        %max3A_439 = vector.broadcast %jit3A_437 : i32 to vector<16xi32>
        %max3A_440 = arith.maxsi %max3A_439, %add3A_436 : vector<16xi32>
        %min3A_441 = vector.broadcast %jit3A_438 : i32 to vector<16xi32>
        %min3A_442 = arith.minsi %min3A_441, %max3A_440 : vector<16xi32>
        %mul3A_443 = arith.constant 64 : i32
        %mul3A_444 = vector.broadcast %mul3A_443 : i32 to vector<16xi32>
        %mul3A_445 = arith.muli %min3A_442, %mul3A_444 : vector<16xi32>
        %swap3A_446 = arith.constant 304 : index
        %swap3A_447 = tpu.vector_load %arg11[%swap3A_446] {strides = array<i32>} : memref<400xi32, #tpu.memory_space<vmem>>, vector<16xi32>,
        tpu.vector_store %arg11[%swap3A_446], %mul3A_445 {strides = array<i32>} : memref<400xi32, #tpu.memory_space<vmem>>, vector<16xi32>,
        %get3A_448 = arith.constant 320 : index
        %get3A_449 = tpu.vector_load %arg6[%get3A_448] {strides = array<i32>} : memref<400xi32, #tpu.memory_space<vmem>>, vector<16xi32>,
        %get3A_450 = arith.constant 320 : index
        %get3A_451 = tpu.vector_load %arg8[%get3A_450] {strides = array<i32>} : memref<400xi32, #tpu.memory_space<vmem>>, vector<16xi32>,
        %mul3A_452 = arith.constant 3 : i32
        %mul3A_453 = vector.broadcast %mul3A_452 : i32 to vector<16xi32>
        %mul3A_454 = arith.muli %get3A_449, %mul3A_453 : vector<16xi32>
        %add3A_455 = arith.addi %mul3A_454, %get3A_451 : vector<16xi32>
        %jit3A_456 = arith.constant 0 : i32
        %jit3A_457 = arith.constant 17 : i32
        %max3A_458 = vector.broadcast %jit3A_456 : i32 to vector<16xi32>
        %max3A_459 = arith.maxsi %max3A_458, %add3A_455 : vector<16xi32>
        %min3A_460 = vector.broadcast %jit3A_457 : i32 to vector<16xi32>
        %min3A_461 = arith.minsi %min3A_460, %max3A_459 : vector<16xi32>
        %mul3A_462 = arith.constant 64 : i32
        %mul3A_463 = vector.broadcast %mul3A_462 : i32 to vector<16xi32>
        %mul3A_464 = arith.muli %min3A_461, %mul3A_463 : vector<16xi32>
        %swap3A_465 = arith.constant 320 : index
        %swap3A_466 = tpu.vector_load %arg11[%swap3A_465] {strides = array<i32>} : memref<400xi32, #tpu.memory_space<vmem>>, vector<16xi32>,
        tpu.vector_store %arg11[%swap3A_465], %mul3A_464 {strides = array<i32>} : memref<400xi32, #tpu.memory_space<vmem>>, vector<16xi32>,
        %get3A_467 = arith.constant 336 : index
        %get3A_468 = tpu.vector_load %arg6[%get3A_467] {strides = array<i32>} : memref<400xi32, #tpu.memory_space<vmem>>, vector<16xi32>,
        %get3A_469 = arith.constant 336 : index
        %get3A_470 = tpu.vector_load %arg8[%get3A_469] {strides = array<i32>} : memref<400xi32, #tpu.memory_space<vmem>>, vector<16xi32>,
        %mul3A_471 = arith.constant 3 : i32
        %mul3A_472 = vector.broadcast %mul3A_471 : i32 to vector<16xi32>
        %mul3A_473 = arith.muli %get3A_468, %mul3A_472 : vector<16xi32>
        %add3A_474 = arith.addi %mul3A_473, %get3A_470 : vector<16xi32>
        %jit3A_475 = arith.constant 0 : i32
        %jit3A_476 = arith.constant 17 : i32
        %max3A_477 = vector.broadcast %jit3A_475 : i32 to vector<16xi32>
        %max3A_478 = arith.maxsi %max3A_477, %add3A_474 : vector<16xi32>
        %min3A_479 = vector.broadcast %jit3A_476 : i32 to vector<16xi32>
        %min3A_480 = arith.minsi %min3A_479, %max3A_478 : vector<16xi32>
        %mul3A_481 = arith.constant 64 : i32
        %mul3A_482 = vector.broadcast %mul3A_481 : i32 to vector<16xi32>
        %mul3A_483 = arith.muli %min3A_480, %mul3A_482 : vector<16xi32>
        %swap3A_484 = arith.constant 336 : index
        %swap3A_485 = tpu.vector_load %arg11[%swap3A_484] {strides = array<i32>} : memref<400xi32, #tpu.memory_space<vmem>>, vector<16xi32>,
        tpu.vector_store %arg11[%swap3A_484], %mul3A_483 {strides = array<i32>} : memref<400xi32, #tpu.memory_space<vmem>>, vector<16xi32>,
        %get3A_486 = arith.constant 352 : index
        %get3A_487 = tpu.vector_load %arg6[%get3A_486] {strides = array<i32>} : memref<400xi32, #tpu.memory_space<vmem>>, vector<16xi32>,
        %get3A_488 = arith.constant 352 : index
        %get3A_489 = tpu.vector_load %arg8[%get3A_488] {strides = array<i32>} : memref<400xi32, #tpu.memory_space<vmem>>, vector<16xi32>,
        %mul3A_490 = arith.constant 3 : i32
        %mul3A_491 = vector.broadcast %mul3A_490 : i32 to vector<16xi32>
        %mul3A_492 = arith.muli %get3A_487, %mul3A_491 : vector<16xi32>
        %add3A_493 = arith.addi %mul3A_492, %get3A_489 : vector<16xi32>
        %jit3A_494 = arith.constant 0 : i32
        %jit3A_495 = arith.constant 17 : i32
        %max3A_496 = vector.broadcast %jit3A_494 : i32 to vector<16xi32>
        %max3A_497 = arith.maxsi %max3A_496, %add3A_493 : vector<16xi32>
        %min3A_498 = vector.broadcast %jit3A_495 : i32 to vector<16xi32>
        %min3A_499 = arith.minsi %min3A_498, %max3A_497 : vector<16xi32>
        %mul3A_500 = arith.constant 64 : i32
        %mul3A_501 = vector.broadcast %mul3A_500 : i32 to vector<16xi32>
        %mul3A_502 = arith.muli %min3A_499, %mul3A_501 : vector<16xi32>
        %swap3A_503 = arith.constant 352 : index
        %swap3A_504 = tpu.vector_load %arg11[%swap3A_503] {strides = array<i32>} : memref<400xi32, #tpu.memory_space<vmem>>, vector<16xi32>,
        tpu.vector_store %arg11[%swap3A_503], %mul3A_502 {strides = array<i32>} : memref<400xi32, #tpu.memory_space<vmem>>, vector<16xi32>,
        %get3A_505 = arith.constant 368 : index
        %get3A_506 = tpu.vector_load %arg6[%get3A_505] {strides = array<i32>} : memref<400xi32, #tpu.memory_space<vmem>>, vector<16xi32>,
        %get3A_507 = arith.constant 368 : index
        %get3A_508 = tpu.vector_load %arg8[%get3A_507] {strides = array<i32>} : memref<400xi32, #tpu.memory_space<vmem>>, vector<16xi32>,
        %mul3A_509 = arith.constant 3 : i32
        %mul3A_510 = vector.broadcast %mul3A_509 : i32 to vector<16xi32>
        %mul3A_511 = arith.muli %get3A_506, %mul3A_510 : vector<16xi32>
        %add3A_512 = arith.addi %mul3A_511, %get3A_508 : vector<16xi32>
        %jit3A_513 = arith.constant 0 : i32
        %jit3A_514 = arith.constant 17 : i32
        %max3A_515 = vector.broadcast %jit3A_513 : i32 to vector<16xi32>
        %max3A_516 = arith.maxsi %max3A_515, %add3A_512 : vector<16xi32>
        %min3A_517 = vector.broadcast %jit3A_514 : i32 to vector<16xi32>
        %min3A_518 = arith.minsi %min3A_517, %max3A_516 : vector<16xi32>
        %mul3A_519 = arith.constant 64 : i32
        %mul3A_520 = vector.broadcast %mul3A_519 : i32 to vector<16xi32>
        %mul3A_521 = arith.muli %min3A_518, %mul3A_520 : vector<16xi32>
        %swap3A_522 = arith.constant 368 : index
        %swap3A_523 = tpu.vector_load %arg11[%swap3A_522] {strides = array<i32>} : memref<400xi32, #tpu.memory_space<vmem>>, vector<16xi32>,
        tpu.vector_store %arg11[%swap3A_522], %mul3A_521 {strides = array<i32>} : memref<400xi32, #tpu.memory_space<vmem>>, vector<16xi32>,
        %get3A_524 = arith.constant 384 : index
        %get3A_525 = tpu.vector_load %arg6[%get3A_524] {strides = array<i32>} : memref<400xi32, #tpu.memory_space<vmem>>, vector<16xi32>,
        %get3A_526 = arith.constant 384 : index
        %get3A_527 = tpu.vector_load %arg8[%get3A_526] {strides = array<i32>} : memref<400xi32, #tpu.memory_space<vmem>>, vector<16xi32>,
        %mul3A_528 = arith.constant 3 : i32
        %mul3A_529 = vector.broadcast %mul3A_528 : i32 to vector<16xi32>
        %mul3A_530 = arith.muli %get3A_525, %mul3A_529 : vector<16xi32>
        %add3A_531 = arith.addi %mul3A_530, %get3A_527 : vector<16xi32>
        %jit3A_532 = arith.constant 0 : i32
        %jit3A_533 = arith.constant 17 : i32
        %max3A_534 = vector.broadcast %jit3A_532 : i32 to vector<16xi32>
        %max3A_535 = arith.maxsi %max3A_534, %add3A_531 : vector<16xi32>
        %min3A_536 = vector.broadcast %jit3A_533 : i32 to vector<16xi32>
        %min3A_537 = arith.minsi %min3A_536, %max3A_535 : vector<16xi32>
        %mul3A_538 = arith.constant 64 : i32
        %mul3A_539 = vector.broadcast %mul3A_538 : i32 to vector<16xi32>
        %mul3A_540 = arith.muli %min3A_537, %mul3A_539 : vector<16xi32>
        %swap3A_541 = arith.constant 384 : index
        %swap3A_542 = tpu.vector_load %arg11[%swap3A_541] {strides = array<i32>} : memref<400xi32, #tpu.memory_space<vmem>>, vector<16xi32>,
        tpu.vector_store %arg11[%swap3A_541], %mul3A_540 {strides = array<i32>} : memref<400xi32, #tpu.memory_space<vmem>>, vector<16xi32>,
        %scan3A_543 = arith.constant 0 : i32
        %scan3A_544 = arith.constant 0 : i32
        %scan3A_545 = arith.constant 64 : i32
        %scan3A_546 = arith.addi %scan3A_544, %scan3A_545 : i32
        %scan3A_547 = arith.constant 1 : i32
        scf.for %scan3A_552 = %scan3A_544 to %scan3A_546 step %scan3A_547  : i32 {
          %add3A_553 = vector.broadcast %scan3A_552 : i32 to vector<16xi32>
          %add3A_554 = arith.addi %iota3A, %add3A_553 : vector<16xi32>
          %and3A = arith.constant 63 : i32
          %and3A_555 = vector.broadcast %and3A : i32 to vector<16xi32>
          %and3A_556 = arith.andi %add3A_554, %and3A_555 : vector<16xi32>
          %get3A_557 = arith.constant 0 : index
          %get3A_558 = tpu.vector_load %arg11[%get3A_557] {strides = array<i32>} : memref<400xi32, #tpu.memory_space<vmem>>, vector<16xi32>,
          %add3A_559 = arith.addi %get3A_558, %and3A_556 : vector<16xi32>
          %gather3A = tpu.vector_load_idx %arg10[%add3A_559] : memref<1152xf32, #tpu.memory_space<vmem>>[vector<16xi32>], vector<16xf32>,
          %get3A_560 = arith.constant 16 : index
          %get3A_561 = tpu.vector_load %arg11[%get3A_560] {strides = array<i32>} : memref<400xi32, #tpu.memory_space<vmem>>, vector<16xi32>,
          %add3A_562 = arith.addi %get3A_561, %and3A_556 : vector<16xi32>
          %gather3A_563 = tpu.vector_load_idx %arg10[%add3A_562] : memref<1152xf32, #tpu.memory_space<vmem>>[vector<16xi32>], vector<16xf32>,
          %get3A_564 = arith.constant 32 : index
          %get3A_565 = tpu.vector_load %arg11[%get3A_564] {strides = array<i32>} : memref<400xi32, #tpu.memory_space<vmem>>, vector<16xi32>,
          %add3A_566 = arith.addi %get3A_565, %and3A_556 : vector<16xi32>
          %gather3A_567 = tpu.vector_load_idx %arg10[%add3A_566] : memref<1152xf32, #tpu.memory_space<vmem>>[vector<16xi32>], vector<16xf32>,
          %get3A_568 = arith.constant 48 : index
          %get3A_569 = tpu.vector_load %arg11[%get3A_568] {strides = array<i32>} : memref<400xi32, #tpu.memory_space<vmem>>, vector<16xi32>,
          %add3A_570 = arith.addi %get3A_569, %and3A_556 : vector<16xi32>
          %gather3A_571 = tpu.vector_load_idx %arg10[%add3A_570] : memref<1152xf32, #tpu.memory_space<vmem>>[vector<16xi32>], vector<16xf32>,
          %get3A_572 = arith.constant 64 : index
          %get3A_573 = tpu.vector_load %arg11[%get3A_572] {strides = array<i32>} : memref<400xi32, #tpu.memory_space<vmem>>, vector<16xi32>,
          %add3A_574 = arith.addi %get3A_573, %and3A_556 : vector<16xi32>
          %gather3A_575 = tpu.vector_load_idx %arg10[%add3A_574] : memref<1152xf32, #tpu.memory_space<vmem>>[vector<16xi32>], vector<16xf32>,
          %get3A_576 = arith.constant 80 : index
          %get3A_577 = tpu.vector_load %arg11[%get3A_576] {strides = array<i32>} : memref<400xi32, #tpu.memory_space<vmem>>, vector<16xi32>,
          %add3A_578 = arith.addi %get3A_577, %and3A_556 : vector<16xi32>
          %gather3A_579 = tpu.vector_load_idx %arg10[%add3A_578] : memref<1152xf32, #tpu.memory_space<vmem>>[vector<16xi32>], vector<16xf32>,
          %get3A_580 = arith.constant 96 : index
          %get3A_581 = tpu.vector_load %arg11[%get3A_580] {strides = array<i32>} : memref<400xi32, #tpu.memory_space<vmem>>, vector<16xi32>,
          %add3A_582 = arith.addi %get3A_581, %and3A_556 : vector<16xi32>
          %gather3A_583 = tpu.vector_load_idx %arg10[%add3A_582] : memref<1152xf32, #tpu.memory_space<vmem>>[vector<16xi32>], vector<16xf32>,
          %get3A_584 = arith.constant 112 : index
          %get3A_585 = tpu.vector_load %arg11[%get3A_584] {strides = array<i32>} : memref<400xi32, #tpu.memory_space<vmem>>, vector<16xi32>,
          %add3A_586 = arith.addi %get3A_585, %and3A_556 : vector<16xi32>
          %gather3A_587 = tpu.vector_load_idx %arg10[%add3A_586] : memref<1152xf32, #tpu.memory_space<vmem>>[vector<16xi32>], vector<16xf32>,
          %add3A_588 = arith.constant 0 : i32
          %add3A_589 = vector.broadcast %add3A_588 : i32 to vector<16xi32>
          %add3A_590 = arith.addi %iota3A, %add3A_589 : vector<16xi32>
          tpu.vector_store_idx %arg12[%add3A_590, %and3A_556], %gather3A : memref<400x64xf32, #tpu.memory_space<vmem>>[vector<16xi32>, vector<16xi32>], vector<16xf32>,
          %add3A_591 = arith.constant 16 : i32
          %add3A_592 = vector.broadcast %add3A_591 : i32 to vector<16xi32>
          %add3A_593 = arith.addi %iota3A, %add3A_592 : vector<16xi32>
          tpu.vector_store_idx %arg12[%add3A_593, %and3A_556], %gather3A_563 : memref<400x64xf32, #tpu.memory_space<vmem>>[vector<16xi32>, vector<16xi32>], vector<16xf32>,
          %add3A_594 = arith.constant 32 : i32
          %add3A_595 = vector.broadcast %add3A_594 : i32 to vector<16xi32>
          %add3A_596 = arith.addi %iota3A, %add3A_595 : vector<16xi32>
          tpu.vector_store_idx %arg12[%add3A_596, %and3A_556], %gather3A_567 : memref<400x64xf32, #tpu.memory_space<vmem>>[vector<16xi32>, vector<16xi32>], vector<16xf32>,
          %add3A_597 = arith.constant 48 : i32
          %add3A_598 = vector.broadcast %add3A_597 : i32 to vector<16xi32>
          %add3A_599 = arith.addi %iota3A, %add3A_598 : vector<16xi32>
          tpu.vector_store_idx %arg12[%add3A_599, %and3A_556], %gather3A_571 : memref<400x64xf32, #tpu.memory_space<vmem>>[vector<16xi32>, vector<16xi32>], vector<16xf32>,
          %add3A_600 = arith.constant 64 : i32
          %add3A_601 = vector.broadcast %add3A_600 : i32 to vector<16xi32>
          %add3A_602 = arith.addi %iota3A, %add3A_601 : vector<16xi32>
          tpu.vector_store_idx %arg12[%add3A_602, %and3A_556], %gather3A_575 : memref<400x64xf32, #tpu.memory_space<vmem>>[vector<16xi32>, vector<16xi32>], vector<16xf32>,
          %add3A_603 = arith.constant 80 : i32
          %add3A_604 = vector.broadcast %add3A_603 : i32 to vector<16xi32>
          %add3A_605 = arith.addi %iota3A, %add3A_604 : vector<16xi32>
          tpu.vector_store_idx %arg12[%add3A_605, %and3A_556], %gather3A_579 : memref<400x64xf32, #tpu.memory_space<vmem>>[vector<16xi32>, vector<16xi32>], vector<16xf32>,
          %add3A_606 = arith.constant 96 : i32
          %add3A_607 = vector.broadcast %add3A_606 : i32 to vector<16xi32>
          %add3A_608 = arith.addi %iota3A, %add3A_607 : vector<16xi32>
          tpu.vector_store_idx %arg12[%add3A_608, %and3A_556], %gather3A_583 : memref<400x64xf32, #tpu.memory_space<vmem>>[vector<16xi32>, vector<16xi32>], vector<16xf32>,
          %add3A_609 = arith.constant 112 : i32
          %add3A_610 = vector.broadcast %add3A_609 : i32 to vector<16xi32>
          %add3A_611 = arith.addi %iota3A, %add3A_610 : vector<16xi32>
          tpu.vector_store_idx %arg12[%add3A_611, %and3A_556], %gather3A_587 : memref<400x64xf32, #tpu.memory_space<vmem>>[vector<16xi32>, vector<16xi32>], vector<16xf32>,
          %get3A_612 = arith.constant 128 : index
          %get3A_613 = tpu.vector_load %arg11[%get3A_612] {strides = array<i32>} : memref<400xi32, #tpu.memory_space<vmem>>, vector<16xi32>,
          %add3A_614 = arith.addi %get3A_613, %and3A_556 : vector<16xi32>
          %gather3A_615 = tpu.vector_load_idx %arg10[%add3A_614] : memref<1152xf32, #tpu.memory_space<vmem>>[vector<16xi32>], vector<16xf32>,
          %get3A_616 = arith.constant 144 : index
          %get3A_617 = tpu.vector_load %arg11[%get3A_616] {strides = array<i32>} : memref<400xi32, #tpu.memory_space<vmem>>, vector<16xi32>,
          %add3A_618 = arith.addi %get3A_617, %and3A_556 : vector<16xi32>
          %gather3A_619 = tpu.vector_load_idx %arg10[%add3A_618] : memref<1152xf32, #tpu.memory_space<vmem>>[vector<16xi32>], vector<16xf32>,
          %get3A_620 = arith.constant 160 : index
          %get3A_621 = tpu.vector_load %arg11[%get3A_620] {strides = array<i32>} : memref<400xi32, #tpu.memory_space<vmem>>, vector<16xi32>,
          %add3A_622 = arith.addi %get3A_621, %and3A_556 : vector<16xi32>
          %gather3A_623 = tpu.vector_load_idx %arg10[%add3A_622] : memref<1152xf32, #tpu.memory_space<vmem>>[vector<16xi32>], vector<16xf32>,
          %get3A_624 = arith.constant 176 : index
          %get3A_625 = tpu.vector_load %arg11[%get3A_624] {strides = array<i32>} : memref<400xi32, #tpu.memory_space<vmem>>, vector<16xi32>,
          %add3A_626 = arith.addi %get3A_625, %and3A_556 : vector<16xi32>
          %gather3A_627 = tpu.vector_load_idx %arg10[%add3A_626] : memref<1152xf32, #tpu.memory_space<vmem>>[vector<16xi32>], vector<16xf32>,
          %get3A_628 = arith.constant 192 : index
          %get3A_629 = tpu.vector_load %arg11[%get3A_628] {strides = array<i32>} : memref<400xi32, #tpu.memory_space<vmem>>, vector<16xi32>,
          %add3A_630 = arith.addi %get3A_629, %and3A_556 : vector<16xi32>
          %gather3A_631 = tpu.vector_load_idx %arg10[%add3A_630] : memref<1152xf32, #tpu.memory_space<vmem>>[vector<16xi32>], vector<16xf32>,
          %get3A_632 = arith.constant 208 : index
          %get3A_633 = tpu.vector_load %arg11[%get3A_632] {strides = array<i32>} : memref<400xi32, #tpu.memory_space<vmem>>, vector<16xi32>,
          %add3A_634 = arith.addi %get3A_633, %and3A_556 : vector<16xi32>
          %gather3A_635 = tpu.vector_load_idx %arg10[%add3A_634] : memref<1152xf32, #tpu.memory_space<vmem>>[vector<16xi32>], vector<16xf32>,
          %get3A_636 = arith.constant 224 : index
          %get3A_637 = tpu.vector_load %arg11[%get3A_636] {strides = array<i32>} : memref<400xi32, #tpu.memory_space<vmem>>, vector<16xi32>,
          %add3A_638 = arith.addi %get3A_637, %and3A_556 : vector<16xi32>
          %gather3A_639 = tpu.vector_load_idx %arg10[%add3A_638] : memref<1152xf32, #tpu.memory_space<vmem>>[vector<16xi32>], vector<16xf32>,
          %get3A_640 = arith.constant 240 : index
          %get3A_641 = tpu.vector_load %arg11[%get3A_640] {strides = array<i32>} : memref<400xi32, #tpu.memory_space<vmem>>, vector<16xi32>,
          %add3A_642 = arith.addi %get3A_641, %and3A_556 : vector<16xi32>
          %gather3A_643 = tpu.vector_load_idx %arg10[%add3A_642] : memref<1152xf32, #tpu.memory_space<vmem>>[vector<16xi32>], vector<16xf32>,
          %add3A_644 = arith.constant 128 : i32
          %add3A_645 = vector.broadcast %add3A_644 : i32 to vector<16xi32>
          %add3A_646 = arith.addi %iota3A, %add3A_645 : vector<16xi32>
          tpu.vector_store_idx %arg12[%add3A_646, %and3A_556], %gather3A_615 : memref<400x64xf32, #tpu.memory_space<vmem>>[vector<16xi32>, vector<16xi32>], vector<16xf32>,
          %add3A_647 = arith.constant 144 : i32
          %add3A_648 = vector.broadcast %add3A_647 : i32 to vector<16xi32>
          %add3A_649 = arith.addi %iota3A, %add3A_648 : vector<16xi32>
          tpu.vector_store_idx %arg12[%add3A_649, %and3A_556], %gather3A_619 : memref<400x64xf32, #tpu.memory_space<vmem>>[vector<16xi32>, vector<16xi32>], vector<16xf32>,
          %add3A_650 = arith.constant 160 : i32
          %add3A_651 = vector.broadcast %add3A_650 : i32 to vector<16xi32>
          %add3A_652 = arith.addi %iota3A, %add3A_651 : vector<16xi32>
          tpu.vector_store_idx %arg12[%add3A_652, %and3A_556], %gather3A_623 : memref<400x64xf32, #tpu.memory_space<vmem>>[vector<16xi32>, vector<16xi32>], vector<16xf32>,
          %add3A_653 = arith.constant 176 : i32
          %add3A_654 = vector.broadcast %add3A_653 : i32 to vector<16xi32>
          %add3A_655 = arith.addi %iota3A, %add3A_654 : vector<16xi32>
          tpu.vector_store_idx %arg12[%add3A_655, %and3A_556], %gather3A_627 : memref<400x64xf32, #tpu.memory_space<vmem>>[vector<16xi32>, vector<16xi32>], vector<16xf32>,
          %add3A_656 = arith.constant 192 : i32
          %add3A_657 = vector.broadcast %add3A_656 : i32 to vector<16xi32>
          %add3A_658 = arith.addi %iota3A, %add3A_657 : vector<16xi32>
          tpu.vector_store_idx %arg12[%add3A_658, %and3A_556], %gather3A_631 : memref<400x64xf32, #tpu.memory_space<vmem>>[vector<16xi32>, vector<16xi32>], vector<16xf32>,
          %add3A_659 = arith.constant 208 : i32
          %add3A_660 = vector.broadcast %add3A_659 : i32 to vector<16xi32>
          %add3A_661 = arith.addi %iota3A, %add3A_660 : vector<16xi32>
          tpu.vector_store_idx %arg12[%add3A_661, %and3A_556], %gather3A_635 : memref<400x64xf32, #tpu.memory_space<vmem>>[vector<16xi32>, vector<16xi32>], vector<16xf32>,
          %add3A_662 = arith.constant 224 : i32
          %add3A_663 = vector.broadcast %add3A_662 : i32 to vector<16xi32>
          %add3A_664 = arith.addi %iota3A, %add3A_663 : vector<16xi32>
          tpu.vector_store_idx %arg12[%add3A_664, %and3A_556], %gather3A_639 : memref<400x64xf32, #tpu.memory_space<vmem>>[vector<16xi32>, vector<16xi32>], vector<16xf32>,
          %add3A_665 = arith.constant 240 : i32
          %add3A_666 = vector.broadcast %add3A_665 : i32 to vector<16xi32>
          %add3A_667 = arith.addi %iota3A, %add3A_666 : vector<16xi32>
          tpu.vector_store_idx %arg12[%add3A_667, %and3A_556], %gather3A_643 : memref<400x64xf32, #tpu.memory_space<vmem>>[vector<16xi32>, vector<16xi32>], vector<16xf32>,
          %get3A_668 = arith.constant 256 : index
          %get3A_669 = tpu.vector_load %arg11[%get3A_668] {strides = array<i32>} : memref<400xi32, #tpu.memory_space<vmem>>, vector<16xi32>,
          %add3A_670 = arith.addi %get3A_669, %and3A_556 : vector<16xi32>
          %gather3A_671 = tpu.vector_load_idx %arg10[%add3A_670] : memref<1152xf32, #tpu.memory_space<vmem>>[vector<16xi32>], vector<16xf32>,
          %get3A_672 = arith.constant 272 : index
          %get3A_673 = tpu.vector_load %arg11[%get3A_672] {strides = array<i32>} : memref<400xi32, #tpu.memory_space<vmem>>, vector<16xi32>,
          %add3A_674 = arith.addi %get3A_673, %and3A_556 : vector<16xi32>
          %gather3A_675 = tpu.vector_load_idx %arg10[%add3A_674] : memref<1152xf32, #tpu.memory_space<vmem>>[vector<16xi32>], vector<16xf32>,
          %get3A_676 = arith.constant 288 : index
          %get3A_677 = tpu.vector_load %arg11[%get3A_676] {strides = array<i32>} : memref<400xi32, #tpu.memory_space<vmem>>, vector<16xi32>,
          %add3A_678 = arith.addi %get3A_677, %and3A_556 : vector<16xi32>
          %gather3A_679 = tpu.vector_load_idx %arg10[%add3A_678] : memref<1152xf32, #tpu.memory_space<vmem>>[vector<16xi32>], vector<16xf32>,
          %get3A_680 = arith.constant 304 : index
          %get3A_681 = tpu.vector_load %arg11[%get3A_680] {strides = array<i32>} : memref<400xi32, #tpu.memory_space<vmem>>, vector<16xi32>,
          %add3A_682 = arith.addi %get3A_681, %and3A_556 : vector<16xi32>
          %gather3A_683 = tpu.vector_load_idx %arg10[%add3A_682] : memref<1152xf32, #tpu.memory_space<vmem>>[vector<16xi32>], vector<16xf32>,
          %get3A_684 = arith.constant 320 : index
          %get3A_685 = tpu.vector_load %arg11[%get3A_684] {strides = array<i32>} : memref<400xi32, #tpu.memory_space<vmem>>, vector<16xi32>,
          %add3A_686 = arith.addi %get3A_685, %and3A_556 : vector<16xi32>
          %gather3A_687 = tpu.vector_load_idx %arg10[%add3A_686] : memref<1152xf32, #tpu.memory_space<vmem>>[vector<16xi32>], vector<16xf32>,
          %get3A_688 = arith.constant 336 : index
          %get3A_689 = tpu.vector_load %arg11[%get3A_688] {strides = array<i32>} : memref<400xi32, #tpu.memory_space<vmem>>, vector<16xi32>,
          %add3A_690 = arith.addi %get3A_689, %and3A_556 : vector<16xi32>
          %gather3A_691 = tpu.vector_load_idx %arg10[%add3A_690] : memref<1152xf32, #tpu.memory_space<vmem>>[vector<16xi32>], vector<16xf32>,
          %get3A_692 = arith.constant 352 : index
          %get3A_693 = tpu.vector_load %arg11[%get3A_692] {strides = array<i32>} : memref<400xi32, #tpu.memory_space<vmem>>, vector<16xi32>,
          %add3A_694 = arith.addi %get3A_693, %and3A_556 : vector<16xi32>
          %gather3A_695 = tpu.vector_load_idx %arg10[%add3A_694] : memref<1152xf32, #tpu.memory_space<vmem>>[vector<16xi32>], vector<16xf32>,
          %get3A_696 = arith.constant 368 : index
          %get3A_697 = tpu.vector_load %arg11[%get3A_696] {strides = array<i32>} : memref<400xi32, #tpu.memory_space<vmem>>, vector<16xi32>,
          %add3A_698 = arith.addi %get3A_697, %and3A_556 : vector<16xi32>
          %gather3A_699 = tpu.vector_load_idx %arg10[%add3A_698] : memref<1152xf32, #tpu.memory_space<vmem>>[vector<16xi32>], vector<16xf32>,
          %add3A_700 = arith.constant 256 : i32
          %add3A_701 = vector.broadcast %add3A_700 : i32 to vector<16xi32>
          %add3A_702 = arith.addi %iota3A, %add3A_701 : vector<16xi32>
          tpu.vector_store_idx %arg12[%add3A_702, %and3A_556], %gather3A_671 : memref<400x64xf32, #tpu.memory_space<vmem>>[vector<16xi32>, vector<16xi32>], vector<16xf32>,
          %add3A_703 = arith.constant 272 : i32
          %add3A_704 = vector.broadcast %add3A_703 : i32 to vector<16xi32>
          %add3A_705 = arith.addi %iota3A, %add3A_704 : vector<16xi32>
          tpu.vector_store_idx %arg12[%add3A_705, %and3A_556], %gather3A_675 : memref<400x64xf32, #tpu.memory_space<vmem>>[vector<16xi32>, vector<16xi32>], vector<16xf32>,
          %add3A_706 = arith.constant 288 : i32
          %add3A_707 = vector.broadcast %add3A_706 : i32 to vector<16xi32>
          %add3A_708 = arith.addi %iota3A, %add3A_707 : vector<16xi32>
          tpu.vector_store_idx %arg12[%add3A_708, %and3A_556], %gather3A_679 : memref<400x64xf32, #tpu.memory_space<vmem>>[vector<16xi32>, vector<16xi32>], vector<16xf32>,
          %add3A_709 = arith.constant 304 : i32
          %add3A_710 = vector.broadcast %add3A_709 : i32 to vector<16xi32>
          %add3A_711 = arith.addi %iota3A, %add3A_710 : vector<16xi32>
          tpu.vector_store_idx %arg12[%add3A_711, %and3A_556], %gather3A_683 : memref<400x64xf32, #tpu.memory_space<vmem>>[vector<16xi32>, vector<16xi32>], vector<16xf32>,
          %add3A_712 = arith.constant 320 : i32
          %add3A_713 = vector.broadcast %add3A_712 : i32 to vector<16xi32>
          %add3A_714 = arith.addi %iota3A, %add3A_713 : vector<16xi32>
          tpu.vector_store_idx %arg12[%add3A_714, %and3A_556], %gather3A_687 : memref<400x64xf32, #tpu.memory_space<vmem>>[vector<16xi32>, vector<16xi32>], vector<16xf32>,
          %add3A_715 = arith.constant 336 : i32
          %add3A_716 = vector.broadcast %add3A_715 : i32 to vector<16xi32>
          %add3A_717 = arith.addi %iota3A, %add3A_716 : vector<16xi32>
          tpu.vector_store_idx %arg12[%add3A_717, %and3A_556], %gather3A_691 : memref<400x64xf32, #tpu.memory_space<vmem>>[vector<16xi32>, vector<16xi32>], vector<16xf32>,
          %add3A_718 = arith.constant 352 : i32
          %add3A_719 = vector.broadcast %add3A_718 : i32 to vector<16xi32>
          %add3A_720 = arith.addi %iota3A, %add3A_719 : vector<16xi32>
          tpu.vector_store_idx %arg12[%add3A_720, %and3A_556], %gather3A_695 : memref<400x64xf32, #tpu.memory_space<vmem>>[vector<16xi32>, vector<16xi32>], vector<16xf32>,
          %add3A_721 = arith.constant 368 : i32
          %add3A_722 = vector.broadcast %add3A_721 : i32 to vector<16xi32>
          %add3A_723 = arith.addi %iota3A, %add3A_722 : vector<16xi32>
          tpu.vector_store_idx %arg12[%add3A_723, %and3A_556], %gather3A_699 : memref<400x64xf32, #tpu.memory_space<vmem>>[vector<16xi32>, vector<16xi32>], vector<16xf32>,
          %get3A_724 = arith.constant 384 : index
          %get3A_725 = tpu.vector_load %arg11[%get3A_724] {strides = array<i32>} : memref<400xi32, #tpu.memory_space<vmem>>, vector<16xi32>,
          %add3A_726 = arith.addi %get3A_725, %and3A_556 : vector<16xi32>
          %gather3A_727 = tpu.vector_load_idx %arg10[%add3A_726] : memref<1152xf32, #tpu.memory_space<vmem>>[vector<16xi32>], vector<16xf32>,
          %add3A_728 = arith.constant 384 : i32
          %add3A_729 = vector.broadcast %add3A_728 : i32 to vector<16xi32>
          %add3A_730 = arith.addi %iota3A, %add3A_729 : vector<16xi32>
          tpu.vector_store_idx %arg12[%add3A_730, %and3A_556], %gather3A_727 : memref<400x64xf32, #tpu.memory_space<vmem>>[vector<16xi32>, vector<16xi32>], vector<16xf32>,
        }
        %scan3A_548 = arith.constant 64 : i32
        %dma_start3A = arith.constant 0 : i32
        %dma_start3A_549 = tpu.memref_slice %arg5[%multiple_of3A, %dma_start3A] : memref<800000x64xf32, #tpu.memory_space<hbm>> -> memref<400x64xf32, #tpu.memory_space<hbm>>
        %dma_start3A_550 = arith.constant 0 : i32
        %dma_start3A_551 = tpu.memref_slice %arg5[%multiple_of3A, %dma_start3A_550] : memref<800000x64xf32, #tpu.memory_space<hbm>> -> memref<400x64xf32, #tpu.memory_space<hbm>>
        tpu.enqueue_dma source(%arg12 : memref<400x64xf32, #tpu.memory_space<vmem>>) target(%dma_start3A_551 : memref<400x64xf32, #tpu.memory_space<hbm>>) target_semaphore(%arg16 : memref<!tpu.dma_semaphore, #tpu.memory_space<semaphore_mem>>)
      } else {
      }
      %mul3A_34 = arith.constant 2 : i32
      %mul3A_35 = arith.muli %scan3A_21, %mul3A_34 : i32
      %add3A_36 = arith.constant 1 : i32
      %add3A_37 = arith.addi %mul3A_35, %add3A_36 : i32
      %mul3A_38 = arith.constant 32 : i32
      %mul3A_39 = arith.muli %add3A_37, %mul3A_38 : i32
      %add3A_40 = arith.addi %add3A, %mul3A_39 : i32
      %lt3A_41 = arith.constant 2000 : i32
      %lt3A_42 = arith.cmpi slt, %add3A_40, %lt3A_41 : i32
      %convert_element_type3A_43 = arith.extui %lt3A_42 : i1 to i32
      %cond3A_44 = arith.constant 0 : i32
      %cond3A_45 = arith.cmpi ne, %convert_element_type3A_43, %cond3A_44 : i32
      scf.if %cond3A_45 {
        %mul3A_46 = arith.constant 32 : i32
        %mul3A_47 = arith.muli %add3A_37, %mul3A_46 : i32
        %add3A_48 = arith.addi %add3A, %mul3A_47 : i32
        %mul3A_49 = arith.constant 400 : i32
        %mul3A_50 = arith.muli %add3A_48, %mul3A_49 : i32
        %multiple_of3A = tpu.assume_multiple %mul3A_50, 8 : i32
        %dma_wait3A_51 = arith.constant 0 : i32
        %dma_wait3A_52 = tpu.memref_slice %arg2[%dma_wait3A_51] : memref<800000xi32, #tpu.memory_space<hbm>> -> memref<400xi32, #tpu.memory_space<hbm>>
        %dma_wait3A_53 = arith.constant 0 : i32
        %dma_wait3A_54 = tpu.memref_slice %arg2[%dma_wait3A_53] : memref<800000xi32, #tpu.memory_space<hbm>> -> memref<400xi32, #tpu.memory_space<hbm>>
        tpu.wait_dma2 semaphore(%arg15 : memref<!tpu.dma_semaphore, #tpu.memory_space<semaphore_mem>>) src(%dma_wait3A_54 : memref<400xi32, #tpu.memory_space<hbm>>) dst(%arg7 : memref<400xi32, #tpu.memory_space<vmem>>)
        %dma_wait3A_55 = arith.constant 0 : i32
        %dma_wait3A_56 = tpu.memref_slice %arg3[%dma_wait3A_55] : memref<800000xi32, #tpu.memory_space<hbm>> -> memref<400xi32, #tpu.memory_space<hbm>>
        %dma_wait3A_57 = arith.constant 0 : i32
        %dma_wait3A_58 = tpu.memref_slice %arg3[%dma_wait3A_57] : memref<800000xi32, #tpu.memory_space<hbm>> -> memref<400xi32, #tpu.memory_space<hbm>>
        tpu.wait_dma2 semaphore(%arg15 : memref<!tpu.dma_semaphore, #tpu.memory_space<semaphore_mem>>) src(%dma_wait3A_58 : memref<400xi32, #tpu.memory_space<hbm>>) dst(%arg9 : memref<400xi32, #tpu.memory_space<vmem>>)
        %add3A_59 = arith.constant 1 : i32
        %add3A_60 = arith.addi %add3A_37, %add3A_59 : i32
        %mul3A_61 = arith.constant 32 : i32
        %mul3A_62 = arith.muli %add3A_60, %mul3A_61 : i32
        %add3A_63 = arith.addi %add3A, %mul3A_62 : i32
        %lt3A_64 = arith.constant 2000 : i32
        %lt3A_65 = arith.cmpi slt, %add3A_63, %lt3A_64 : i32
        %convert_element_type3A_66 = arith.extui %lt3A_65 : i1 to i32
        %cond3A_67 = arith.constant 0 : i32
        %cond3A_68 = arith.cmpi ne, %convert_element_type3A_66, %cond3A_67 : i32
        scf.if %cond3A_68 {
          %mul3A_552 = arith.constant 400 : i32
          %mul3A_553 = arith.muli %add3A_63, %mul3A_552 : i32
          %multiple_of3A_554 = tpu.assume_multiple %mul3A_553, 8 : i32
          %dma_start3A_555 = tpu.memref_slice %arg2[%multiple_of3A_554] : memref<800000xi32, #tpu.memory_space<hbm>> -> memref<400xi32, #tpu.memory_space<hbm>>
          %dma_start3A_556 = tpu.memref_slice %arg2[%multiple_of3A_554] : memref<800000xi32, #tpu.memory_space<hbm>> -> memref<400xi32, #tpu.memory_space<hbm>>
          tpu.enqueue_dma source(%dma_start3A_556 : memref<400xi32, #tpu.memory_space<hbm>>) target(%arg6 : memref<400xi32, #tpu.memory_space<vmem>>) target_semaphore(%arg14 : memref<!tpu.dma_semaphore, #tpu.memory_space<semaphore_mem>>)
          %dma_start3A_557 = tpu.memref_slice %arg3[%multiple_of3A_554] : memref<800000xi32, #tpu.memory_space<hbm>> -> memref<400xi32, #tpu.memory_space<hbm>>
          %dma_start3A_558 = tpu.memref_slice %arg3[%multiple_of3A_554] : memref<800000xi32, #tpu.memory_space<hbm>> -> memref<400xi32, #tpu.memory_space<hbm>>
          tpu.enqueue_dma source(%dma_start3A_558 : memref<400xi32, #tpu.memory_space<hbm>>) target(%arg8 : memref<400xi32, #tpu.memory_space<vmem>>) target_semaphore(%arg14 : memref<!tpu.dma_semaphore, #tpu.memory_space<semaphore_mem>>)
        } else {
        }
        %ge3A = arith.constant 1 : i32
        %ge3A_69 = arith.cmpi sge, %scan3A_21, %ge3A : i32
        %convert_element_type3A_70 = arith.extui %ge3A_69 : i1 to i32
        %cond3A_71 = arith.constant 0 : i32
        %cond3A_72 = arith.cmpi ne, %convert_element_type3A_70, %cond3A_71 : i32
        scf.if %cond3A_72 {
          %dma_wait3A_552 = arith.constant 0 : i32
          %dma_wait3A_553 = arith.constant 0 : i32
          %dma_wait3A_554 = tpu.memref_slice %arg5[%dma_wait3A_552, %dma_wait3A_553] : memref<800000x64xf32, #tpu.memory_space<hbm>> -> memref<400x64xf32, #tpu.memory_space<hbm>>
          %dma_wait3A_555 = arith.constant 0 : i32
          %dma_wait3A_556 = arith.constant 0 : i32
          %dma_wait3A_557 = tpu.memref_slice %arg5[%dma_wait3A_555, %dma_wait3A_556] : memref<800000x64xf32, #tpu.memory_space<hbm>> -> memref<400x64xf32, #tpu.memory_space<hbm>>
          tpu.wait_dma2 semaphore(%arg17 : memref<!tpu.dma_semaphore, #tpu.memory_space<semaphore_mem>>) src(%dma_wait3A_557 : memref<400x64xf32, #tpu.memory_space<hbm>>) dst(%arg13 : memref<400x64xf32, #tpu.memory_space<vmem>>)
        } else {
        }
        %get3A = arith.constant 0 : index
        %get3A_73 = tpu.vector_load %arg7[%get3A] {strides = array<i32>} : memref<400xi32, #tpu.memory_space<vmem>>, vector<16xi32>,
        %get3A_74 = arith.constant 0 : index
        %get3A_75 = tpu.vector_load %arg9[%get3A_74] {strides = array<i32>} : memref<400xi32, #tpu.memory_space<vmem>>, vector<16xi32>,
        %mul3A_76 = arith.constant 3 : i32
        %mul3A_77 = vector.broadcast %mul3A_76 : i32 to vector<16xi32>
        %mul3A_78 = arith.muli %get3A_73, %mul3A_77 : vector<16xi32>
        %add3A_79 = arith.addi %mul3A_78, %get3A_75 : vector<16xi32>
        %jit3A = arith.constant 0 : i32
        %jit3A_80 = arith.constant 17 : i32
        %max3A = vector.broadcast %jit3A : i32 to vector<16xi32>
        %max3A_81 = arith.maxsi %max3A, %add3A_79 : vector<16xi32>
        %min3A = vector.broadcast %jit3A_80 : i32 to vector<16xi32>
        %min3A_82 = arith.minsi %min3A, %max3A_81 : vector<16xi32>
        %mul3A_83 = arith.constant 64 : i32
        %mul3A_84 = vector.broadcast %mul3A_83 : i32 to vector<16xi32>
        %mul3A_85 = arith.muli %min3A_82, %mul3A_84 : vector<16xi32>
        %swap3A = arith.constant 0 : index
        %swap3A_86 = tpu.vector_load %arg11[%swap3A] {strides = array<i32>} : memref<400xi32, #tpu.memory_space<vmem>>, vector<16xi32>,
        tpu.vector_store %arg11[%swap3A], %mul3A_85 {strides = array<i32>} : memref<400xi32, #tpu.memory_space<vmem>>, vector<16xi32>,
        %get3A_87 = arith.constant 16 : index
        %get3A_88 = tpu.vector_load %arg7[%get3A_87] {strides = array<i32>} : memref<400xi32, #tpu.memory_space<vmem>>, vector<16xi32>,
        %get3A_89 = arith.constant 16 : index
        %get3A_90 = tpu.vector_load %arg9[%get3A_89] {strides = array<i32>} : memref<400xi32, #tpu.memory_space<vmem>>, vector<16xi32>,
        %mul3A_91 = arith.constant 3 : i32
        %mul3A_92 = vector.broadcast %mul3A_91 : i32 to vector<16xi32>
        %mul3A_93 = arith.muli %get3A_88, %mul3A_92 : vector<16xi32>
        %add3A_94 = arith.addi %mul3A_93, %get3A_90 : vector<16xi32>
        %jit3A_95 = arith.constant 0 : i32
        %jit3A_96 = arith.constant 17 : i32
        %max3A_97 = vector.broadcast %jit3A_95 : i32 to vector<16xi32>
        %max3A_98 = arith.maxsi %max3A_97, %add3A_94 : vector<16xi32>
        %min3A_99 = vector.broadcast %jit3A_96 : i32 to vector<16xi32>
        %min3A_100 = arith.minsi %min3A_99, %max3A_98 : vector<16xi32>
        %mul3A_101 = arith.constant 64 : i32
        %mul3A_102 = vector.broadcast %mul3A_101 : i32 to vector<16xi32>
        %mul3A_103 = arith.muli %min3A_100, %mul3A_102 : vector<16xi32>
        %swap3A_104 = arith.constant 16 : index
        %swap3A_105 = tpu.vector_load %arg11[%swap3A_104] {strides = array<i32>} : memref<400xi32, #tpu.memory_space<vmem>>, vector<16xi32>,
        tpu.vector_store %arg11[%swap3A_104], %mul3A_103 {strides = array<i32>} : memref<400xi32, #tpu.memory_space<vmem>>, vector<16xi32>,
        %get3A_106 = arith.constant 32 : index
        %get3A_107 = tpu.vector_load %arg7[%get3A_106] {strides = array<i32>} : memref<400xi32, #tpu.memory_space<vmem>>, vector<16xi32>,
        %get3A_108 = arith.constant 32 : index
        %get3A_109 = tpu.vector_load %arg9[%get3A_108] {strides = array<i32>} : memref<400xi32, #tpu.memory_space<vmem>>, vector<16xi32>,
        %mul3A_110 = arith.constant 3 : i32
        %mul3A_111 = vector.broadcast %mul3A_110 : i32 to vector<16xi32>
        %mul3A_112 = arith.muli %get3A_107, %mul3A_111 : vector<16xi32>
        %add3A_113 = arith.addi %mul3A_112, %get3A_109 : vector<16xi32>
        %jit3A_114 = arith.constant 0 : i32
        %jit3A_115 = arith.constant 17 : i32
        %max3A_116 = vector.broadcast %jit3A_114 : i32 to vector<16xi32>
        %max3A_117 = arith.maxsi %max3A_116, %add3A_113 : vector<16xi32>
        %min3A_118 = vector.broadcast %jit3A_115 : i32 to vector<16xi32>
        %min3A_119 = arith.minsi %min3A_118, %max3A_117 : vector<16xi32>
        %mul3A_120 = arith.constant 64 : i32
        %mul3A_121 = vector.broadcast %mul3A_120 : i32 to vector<16xi32>
        %mul3A_122 = arith.muli %min3A_119, %mul3A_121 : vector<16xi32>
        %swap3A_123 = arith.constant 32 : index
        %swap3A_124 = tpu.vector_load %arg11[%swap3A_123] {strides = array<i32>} : memref<400xi32, #tpu.memory_space<vmem>>, vector<16xi32>,
        tpu.vector_store %arg11[%swap3A_123], %mul3A_122 {strides = array<i32>} : memref<400xi32, #tpu.memory_space<vmem>>, vector<16xi32>,
        %get3A_125 = arith.constant 48 : index
        %get3A_126 = tpu.vector_load %arg7[%get3A_125] {strides = array<i32>} : memref<400xi32, #tpu.memory_space<vmem>>, vector<16xi32>,
        %get3A_127 = arith.constant 48 : index
        %get3A_128 = tpu.vector_load %arg9[%get3A_127] {strides = array<i32>} : memref<400xi32, #tpu.memory_space<vmem>>, vector<16xi32>,
        %mul3A_129 = arith.constant 3 : i32
        %mul3A_130 = vector.broadcast %mul3A_129 : i32 to vector<16xi32>
        %mul3A_131 = arith.muli %get3A_126, %mul3A_130 : vector<16xi32>
        %add3A_132 = arith.addi %mul3A_131, %get3A_128 : vector<16xi32>
        %jit3A_133 = arith.constant 0 : i32
        %jit3A_134 = arith.constant 17 : i32
        %max3A_135 = vector.broadcast %jit3A_133 : i32 to vector<16xi32>
        %max3A_136 = arith.maxsi %max3A_135, %add3A_132 : vector<16xi32>
        %min3A_137 = vector.broadcast %jit3A_134 : i32 to vector<16xi32>
        %min3A_138 = arith.minsi %min3A_137, %max3A_136 : vector<16xi32>
        %mul3A_139 = arith.constant 64 : i32
        %mul3A_140 = vector.broadcast %mul3A_139 : i32 to vector<16xi32>
        %mul3A_141 = arith.muli %min3A_138, %mul3A_140 : vector<16xi32>
        %swap3A_142 = arith.constant 48 : index
        %swap3A_143 = tpu.vector_load %arg11[%swap3A_142] {strides = array<i32>} : memref<400xi32, #tpu.memory_space<vmem>>, vector<16xi32>,
        tpu.vector_store %arg11[%swap3A_142], %mul3A_141 {strides = array<i32>} : memref<400xi32, #tpu.memory_space<vmem>>, vector<16xi32>,
        %get3A_144 = arith.constant 64 : index
        %get3A_145 = tpu.vector_load %arg7[%get3A_144] {strides = array<i32>} : memref<400xi32, #tpu.memory_space<vmem>>, vector<16xi32>,
        %get3A_146 = arith.constant 64 : index
        %get3A_147 = tpu.vector_load %arg9[%get3A_146] {strides = array<i32>} : memref<400xi32, #tpu.memory_space<vmem>>, vector<16xi32>,
        %mul3A_148 = arith.constant 3 : i32
        %mul3A_149 = vector.broadcast %mul3A_148 : i32 to vector<16xi32>
        %mul3A_150 = arith.muli %get3A_145, %mul3A_149 : vector<16xi32>
        %add3A_151 = arith.addi %mul3A_150, %get3A_147 : vector<16xi32>
        %jit3A_152 = arith.constant 0 : i32
        %jit3A_153 = arith.constant 17 : i32
        %max3A_154 = vector.broadcast %jit3A_152 : i32 to vector<16xi32>
        %max3A_155 = arith.maxsi %max3A_154, %add3A_151 : vector<16xi32>
        %min3A_156 = vector.broadcast %jit3A_153 : i32 to vector<16xi32>
        %min3A_157 = arith.minsi %min3A_156, %max3A_155 : vector<16xi32>
        %mul3A_158 = arith.constant 64 : i32
        %mul3A_159 = vector.broadcast %mul3A_158 : i32 to vector<16xi32>
        %mul3A_160 = arith.muli %min3A_157, %mul3A_159 : vector<16xi32>
        %swap3A_161 = arith.constant 64 : index
        %swap3A_162 = tpu.vector_load %arg11[%swap3A_161] {strides = array<i32>} : memref<400xi32, #tpu.memory_space<vmem>>, vector<16xi32>,
        tpu.vector_store %arg11[%swap3A_161], %mul3A_160 {strides = array<i32>} : memref<400xi32, #tpu.memory_space<vmem>>, vector<16xi32>,
        %get3A_163 = arith.constant 80 : index
        %get3A_164 = tpu.vector_load %arg7[%get3A_163] {strides = array<i32>} : memref<400xi32, #tpu.memory_space<vmem>>, vector<16xi32>,
        %get3A_165 = arith.constant 80 : index
        %get3A_166 = tpu.vector_load %arg9[%get3A_165] {strides = array<i32>} : memref<400xi32, #tpu.memory_space<vmem>>, vector<16xi32>,
        %mul3A_167 = arith.constant 3 : i32
        %mul3A_168 = vector.broadcast %mul3A_167 : i32 to vector<16xi32>
        %mul3A_169 = arith.muli %get3A_164, %mul3A_168 : vector<16xi32>
        %add3A_170 = arith.addi %mul3A_169, %get3A_166 : vector<16xi32>
        %jit3A_171 = arith.constant 0 : i32
        %jit3A_172 = arith.constant 17 : i32
        %max3A_173 = vector.broadcast %jit3A_171 : i32 to vector<16xi32>
        %max3A_174 = arith.maxsi %max3A_173, %add3A_170 : vector<16xi32>
        %min3A_175 = vector.broadcast %jit3A_172 : i32 to vector<16xi32>
        %min3A_176 = arith.minsi %min3A_175, %max3A_174 : vector<16xi32>
        %mul3A_177 = arith.constant 64 : i32
        %mul3A_178 = vector.broadcast %mul3A_177 : i32 to vector<16xi32>
        %mul3A_179 = arith.muli %min3A_176, %mul3A_178 : vector<16xi32>
        %swap3A_180 = arith.constant 80 : index
        %swap3A_181 = tpu.vector_load %arg11[%swap3A_180] {strides = array<i32>} : memref<400xi32, #tpu.memory_space<vmem>>, vector<16xi32>,
        tpu.vector_store %arg11[%swap3A_180], %mul3A_179 {strides = array<i32>} : memref<400xi32, #tpu.memory_space<vmem>>, vector<16xi32>,
        %get3A_182 = arith.constant 96 : index
        %get3A_183 = tpu.vector_load %arg7[%get3A_182] {strides = array<i32>} : memref<400xi32, #tpu.memory_space<vmem>>, vector<16xi32>,
        %get3A_184 = arith.constant 96 : index
        %get3A_185 = tpu.vector_load %arg9[%get3A_184] {strides = array<i32>} : memref<400xi32, #tpu.memory_space<vmem>>, vector<16xi32>,
        %mul3A_186 = arith.constant 3 : i32
        %mul3A_187 = vector.broadcast %mul3A_186 : i32 to vector<16xi32>
        %mul3A_188 = arith.muli %get3A_183, %mul3A_187 : vector<16xi32>
        %add3A_189 = arith.addi %mul3A_188, %get3A_185 : vector<16xi32>
        %jit3A_190 = arith.constant 0 : i32
        %jit3A_191 = arith.constant 17 : i32
        %max3A_192 = vector.broadcast %jit3A_190 : i32 to vector<16xi32>
        %max3A_193 = arith.maxsi %max3A_192, %add3A_189 : vector<16xi32>
        %min3A_194 = vector.broadcast %jit3A_191 : i32 to vector<16xi32>
        %min3A_195 = arith.minsi %min3A_194, %max3A_193 : vector<16xi32>
        %mul3A_196 = arith.constant 64 : i32
        %mul3A_197 = vector.broadcast %mul3A_196 : i32 to vector<16xi32>
        %mul3A_198 = arith.muli %min3A_195, %mul3A_197 : vector<16xi32>
        %swap3A_199 = arith.constant 96 : index
        %swap3A_200 = tpu.vector_load %arg11[%swap3A_199] {strides = array<i32>} : memref<400xi32, #tpu.memory_space<vmem>>, vector<16xi32>,
        tpu.vector_store %arg11[%swap3A_199], %mul3A_198 {strides = array<i32>} : memref<400xi32, #tpu.memory_space<vmem>>, vector<16xi32>,
        %get3A_201 = arith.constant 112 : index
        %get3A_202 = tpu.vector_load %arg7[%get3A_201] {strides = array<i32>} : memref<400xi32, #tpu.memory_space<vmem>>, vector<16xi32>,
        %get3A_203 = arith.constant 112 : index
        %get3A_204 = tpu.vector_load %arg9[%get3A_203] {strides = array<i32>} : memref<400xi32, #tpu.memory_space<vmem>>, vector<16xi32>,
        %mul3A_205 = arith.constant 3 : i32
        %mul3A_206 = vector.broadcast %mul3A_205 : i32 to vector<16xi32>
        %mul3A_207 = arith.muli %get3A_202, %mul3A_206 : vector<16xi32>
        %add3A_208 = arith.addi %mul3A_207, %get3A_204 : vector<16xi32>
        %jit3A_209 = arith.constant 0 : i32
        %jit3A_210 = arith.constant 17 : i32
        %max3A_211 = vector.broadcast %jit3A_209 : i32 to vector<16xi32>
        %max3A_212 = arith.maxsi %max3A_211, %add3A_208 : vector<16xi32>
        %min3A_213 = vector.broadcast %jit3A_210 : i32 to vector<16xi32>
        %min3A_214 = arith.minsi %min3A_213, %max3A_212 : vector<16xi32>
        %mul3A_215 = arith.constant 64 : i32
        %mul3A_216 = vector.broadcast %mul3A_215 : i32 to vector<16xi32>
        %mul3A_217 = arith.muli %min3A_214, %mul3A_216 : vector<16xi32>
        %swap3A_218 = arith.constant 112 : index
        %swap3A_219 = tpu.vector_load %arg11[%swap3A_218] {strides = array<i32>} : memref<400xi32, #tpu.memory_space<vmem>>, vector<16xi32>,
        tpu.vector_store %arg11[%swap3A_218], %mul3A_217 {strides = array<i32>} : memref<400xi32, #tpu.memory_space<vmem>>, vector<16xi32>,
        %get3A_220 = arith.constant 128 : index
        %get3A_221 = tpu.vector_load %arg7[%get3A_220] {strides = array<i32>} : memref<400xi32, #tpu.memory_space<vmem>>, vector<16xi32>,
        %get3A_222 = arith.constant 128 : index
        %get3A_223 = tpu.vector_load %arg9[%get3A_222] {strides = array<i32>} : memref<400xi32, #tpu.memory_space<vmem>>, vector<16xi32>,
        %mul3A_224 = arith.constant 3 : i32
        %mul3A_225 = vector.broadcast %mul3A_224 : i32 to vector<16xi32>
        %mul3A_226 = arith.muli %get3A_221, %mul3A_225 : vector<16xi32>
        %add3A_227 = arith.addi %mul3A_226, %get3A_223 : vector<16xi32>
        %jit3A_228 = arith.constant 0 : i32
        %jit3A_229 = arith.constant 17 : i32
        %max3A_230 = vector.broadcast %jit3A_228 : i32 to vector<16xi32>
        %max3A_231 = arith.maxsi %max3A_230, %add3A_227 : vector<16xi32>
        %min3A_232 = vector.broadcast %jit3A_229 : i32 to vector<16xi32>
        %min3A_233 = arith.minsi %min3A_232, %max3A_231 : vector<16xi32>
        %mul3A_234 = arith.constant 64 : i32
        %mul3A_235 = vector.broadcast %mul3A_234 : i32 to vector<16xi32>
        %mul3A_236 = arith.muli %min3A_233, %mul3A_235 : vector<16xi32>
        %swap3A_237 = arith.constant 128 : index
        %swap3A_238 = tpu.vector_load %arg11[%swap3A_237] {strides = array<i32>} : memref<400xi32, #tpu.memory_space<vmem>>, vector<16xi32>,
        tpu.vector_store %arg11[%swap3A_237], %mul3A_236 {strides = array<i32>} : memref<400xi32, #tpu.memory_space<vmem>>, vector<16xi32>,
        %get3A_239 = arith.constant 144 : index
        %get3A_240 = tpu.vector_load %arg7[%get3A_239] {strides = array<i32>} : memref<400xi32, #tpu.memory_space<vmem>>, vector<16xi32>,
        %get3A_241 = arith.constant 144 : index
        %get3A_242 = tpu.vector_load %arg9[%get3A_241] {strides = array<i32>} : memref<400xi32, #tpu.memory_space<vmem>>, vector<16xi32>,
        %mul3A_243 = arith.constant 3 : i32
        %mul3A_244 = vector.broadcast %mul3A_243 : i32 to vector<16xi32>
        %mul3A_245 = arith.muli %get3A_240, %mul3A_244 : vector<16xi32>
        %add3A_246 = arith.addi %mul3A_245, %get3A_242 : vector<16xi32>
        %jit3A_247 = arith.constant 0 : i32
        %jit3A_248 = arith.constant 17 : i32
        %max3A_249 = vector.broadcast %jit3A_247 : i32 to vector<16xi32>
        %max3A_250 = arith.maxsi %max3A_249, %add3A_246 : vector<16xi32>
        %min3A_251 = vector.broadcast %jit3A_248 : i32 to vector<16xi32>
        %min3A_252 = arith.minsi %min3A_251, %max3A_250 : vector<16xi32>
        %mul3A_253 = arith.constant 64 : i32
        %mul3A_254 = vector.broadcast %mul3A_253 : i32 to vector<16xi32>
        %mul3A_255 = arith.muli %min3A_252, %mul3A_254 : vector<16xi32>
        %swap3A_256 = arith.constant 144 : index
        %swap3A_257 = tpu.vector_load %arg11[%swap3A_256] {strides = array<i32>} : memref<400xi32, #tpu.memory_space<vmem>>, vector<16xi32>,
        tpu.vector_store %arg11[%swap3A_256], %mul3A_255 {strides = array<i32>} : memref<400xi32, #tpu.memory_space<vmem>>, vector<16xi32>,
        %get3A_258 = arith.constant 160 : index
        %get3A_259 = tpu.vector_load %arg7[%get3A_258] {strides = array<i32>} : memref<400xi32, #tpu.memory_space<vmem>>, vector<16xi32>,
        %get3A_260 = arith.constant 160 : index
        %get3A_261 = tpu.vector_load %arg9[%get3A_260] {strides = array<i32>} : memref<400xi32, #tpu.memory_space<vmem>>, vector<16xi32>,
        %mul3A_262 = arith.constant 3 : i32
        %mul3A_263 = vector.broadcast %mul3A_262 : i32 to vector<16xi32>
        %mul3A_264 = arith.muli %get3A_259, %mul3A_263 : vector<16xi32>
        %add3A_265 = arith.addi %mul3A_264, %get3A_261 : vector<16xi32>
        %jit3A_266 = arith.constant 0 : i32
        %jit3A_267 = arith.constant 17 : i32
        %max3A_268 = vector.broadcast %jit3A_266 : i32 to vector<16xi32>
        %max3A_269 = arith.maxsi %max3A_268, %add3A_265 : vector<16xi32>
        %min3A_270 = vector.broadcast %jit3A_267 : i32 to vector<16xi32>
        %min3A_271 = arith.minsi %min3A_270, %max3A_269 : vector<16xi32>
        %mul3A_272 = arith.constant 64 : i32
        %mul3A_273 = vector.broadcast %mul3A_272 : i32 to vector<16xi32>
        %mul3A_274 = arith.muli %min3A_271, %mul3A_273 : vector<16xi32>
        %swap3A_275 = arith.constant 160 : index
        %swap3A_276 = tpu.vector_load %arg11[%swap3A_275] {strides = array<i32>} : memref<400xi32, #tpu.memory_space<vmem>>, vector<16xi32>,
        tpu.vector_store %arg11[%swap3A_275], %mul3A_274 {strides = array<i32>} : memref<400xi32, #tpu.memory_space<vmem>>, vector<16xi32>,
        %get3A_277 = arith.constant 176 : index
        %get3A_278 = tpu.vector_load %arg7[%get3A_277] {strides = array<i32>} : memref<400xi32, #tpu.memory_space<vmem>>, vector<16xi32>,
        %get3A_279 = arith.constant 176 : index
        %get3A_280 = tpu.vector_load %arg9[%get3A_279] {strides = array<i32>} : memref<400xi32, #tpu.memory_space<vmem>>, vector<16xi32>,
        %mul3A_281 = arith.constant 3 : i32
        %mul3A_282 = vector.broadcast %mul3A_281 : i32 to vector<16xi32>
        %mul3A_283 = arith.muli %get3A_278, %mul3A_282 : vector<16xi32>
        %add3A_284 = arith.addi %mul3A_283, %get3A_280 : vector<16xi32>
        %jit3A_285 = arith.constant 0 : i32
        %jit3A_286 = arith.constant 17 : i32
        %max3A_287 = vector.broadcast %jit3A_285 : i32 to vector<16xi32>
        %max3A_288 = arith.maxsi %max3A_287, %add3A_284 : vector<16xi32>
        %min3A_289 = vector.broadcast %jit3A_286 : i32 to vector<16xi32>
        %min3A_290 = arith.minsi %min3A_289, %max3A_288 : vector<16xi32>
        %mul3A_291 = arith.constant 64 : i32
        %mul3A_292 = vector.broadcast %mul3A_291 : i32 to vector<16xi32>
        %mul3A_293 = arith.muli %min3A_290, %mul3A_292 : vector<16xi32>
        %swap3A_294 = arith.constant 176 : index
        %swap3A_295 = tpu.vector_load %arg11[%swap3A_294] {strides = array<i32>} : memref<400xi32, #tpu.memory_space<vmem>>, vector<16xi32>,
        tpu.vector_store %arg11[%swap3A_294], %mul3A_293 {strides = array<i32>} : memref<400xi32, #tpu.memory_space<vmem>>, vector<16xi32>,
        %get3A_296 = arith.constant 192 : index
        %get3A_297 = tpu.vector_load %arg7[%get3A_296] {strides = array<i32>} : memref<400xi32, #tpu.memory_space<vmem>>, vector<16xi32>,
        %get3A_298 = arith.constant 192 : index
        %get3A_299 = tpu.vector_load %arg9[%get3A_298] {strides = array<i32>} : memref<400xi32, #tpu.memory_space<vmem>>, vector<16xi32>,
        %mul3A_300 = arith.constant 3 : i32
        %mul3A_301 = vector.broadcast %mul3A_300 : i32 to vector<16xi32>
        %mul3A_302 = arith.muli %get3A_297, %mul3A_301 : vector<16xi32>
        %add3A_303 = arith.addi %mul3A_302, %get3A_299 : vector<16xi32>
        %jit3A_304 = arith.constant 0 : i32
        %jit3A_305 = arith.constant 17 : i32
        %max3A_306 = vector.broadcast %jit3A_304 : i32 to vector<16xi32>
        %max3A_307 = arith.maxsi %max3A_306, %add3A_303 : vector<16xi32>
        %min3A_308 = vector.broadcast %jit3A_305 : i32 to vector<16xi32>
        %min3A_309 = arith.minsi %min3A_308, %max3A_307 : vector<16xi32>
        %mul3A_310 = arith.constant 64 : i32
        %mul3A_311 = vector.broadcast %mul3A_310 : i32 to vector<16xi32>
        %mul3A_312 = arith.muli %min3A_309, %mul3A_311 : vector<16xi32>
        %swap3A_313 = arith.constant 192 : index
        %swap3A_314 = tpu.vector_load %arg11[%swap3A_313] {strides = array<i32>} : memref<400xi32, #tpu.memory_space<vmem>>, vector<16xi32>,
        tpu.vector_store %arg11[%swap3A_313], %mul3A_312 {strides = array<i32>} : memref<400xi32, #tpu.memory_space<vmem>>, vector<16xi32>,
        %get3A_315 = arith.constant 208 : index
        %get3A_316 = tpu.vector_load %arg7[%get3A_315] {strides = array<i32>} : memref<400xi32, #tpu.memory_space<vmem>>, vector<16xi32>,
        %get3A_317 = arith.constant 208 : index
        %get3A_318 = tpu.vector_load %arg9[%get3A_317] {strides = array<i32>} : memref<400xi32, #tpu.memory_space<vmem>>, vector<16xi32>,
        %mul3A_319 = arith.constant 3 : i32
        %mul3A_320 = vector.broadcast %mul3A_319 : i32 to vector<16xi32>
        %mul3A_321 = arith.muli %get3A_316, %mul3A_320 : vector<16xi32>
        %add3A_322 = arith.addi %mul3A_321, %get3A_318 : vector<16xi32>
        %jit3A_323 = arith.constant 0 : i32
        %jit3A_324 = arith.constant 17 : i32
        %max3A_325 = vector.broadcast %jit3A_323 : i32 to vector<16xi32>
        %max3A_326 = arith.maxsi %max3A_325, %add3A_322 : vector<16xi32>
        %min3A_327 = vector.broadcast %jit3A_324 : i32 to vector<16xi32>
        %min3A_328 = arith.minsi %min3A_327, %max3A_326 : vector<16xi32>
        %mul3A_329 = arith.constant 64 : i32
        %mul3A_330 = vector.broadcast %mul3A_329 : i32 to vector<16xi32>
        %mul3A_331 = arith.muli %min3A_328, %mul3A_330 : vector<16xi32>
        %swap3A_332 = arith.constant 208 : index
        %swap3A_333 = tpu.vector_load %arg11[%swap3A_332] {strides = array<i32>} : memref<400xi32, #tpu.memory_space<vmem>>, vector<16xi32>,
        tpu.vector_store %arg11[%swap3A_332], %mul3A_331 {strides = array<i32>} : memref<400xi32, #tpu.memory_space<vmem>>, vector<16xi32>,
        %get3A_334 = arith.constant 224 : index
        %get3A_335 = tpu.vector_load %arg7[%get3A_334] {strides = array<i32>} : memref<400xi32, #tpu.memory_space<vmem>>, vector<16xi32>,
        %get3A_336 = arith.constant 224 : index
        %get3A_337 = tpu.vector_load %arg9[%get3A_336] {strides = array<i32>} : memref<400xi32, #tpu.memory_space<vmem>>, vector<16xi32>,
        %mul3A_338 = arith.constant 3 : i32
        %mul3A_339 = vector.broadcast %mul3A_338 : i32 to vector<16xi32>
        %mul3A_340 = arith.muli %get3A_335, %mul3A_339 : vector<16xi32>
        %add3A_341 = arith.addi %mul3A_340, %get3A_337 : vector<16xi32>
        %jit3A_342 = arith.constant 0 : i32
        %jit3A_343 = arith.constant 17 : i32
        %max3A_344 = vector.broadcast %jit3A_342 : i32 to vector<16xi32>
        %max3A_345 = arith.maxsi %max3A_344, %add3A_341 : vector<16xi32>
        %min3A_346 = vector.broadcast %jit3A_343 : i32 to vector<16xi32>
        %min3A_347 = arith.minsi %min3A_346, %max3A_345 : vector<16xi32>
        %mul3A_348 = arith.constant 64 : i32
        %mul3A_349 = vector.broadcast %mul3A_348 : i32 to vector<16xi32>
        %mul3A_350 = arith.muli %min3A_347, %mul3A_349 : vector<16xi32>
        %swap3A_351 = arith.constant 224 : index
        %swap3A_352 = tpu.vector_load %arg11[%swap3A_351] {strides = array<i32>} : memref<400xi32, #tpu.memory_space<vmem>>, vector<16xi32>,
        tpu.vector_store %arg11[%swap3A_351], %mul3A_350 {strides = array<i32>} : memref<400xi32, #tpu.memory_space<vmem>>, vector<16xi32>,
        %get3A_353 = arith.constant 240 : index
        %get3A_354 = tpu.vector_load %arg7[%get3A_353] {strides = array<i32>} : memref<400xi32, #tpu.memory_space<vmem>>, vector<16xi32>,
        %get3A_355 = arith.constant 240 : index
        %get3A_356 = tpu.vector_load %arg9[%get3A_355] {strides = array<i32>} : memref<400xi32, #tpu.memory_space<vmem>>, vector<16xi32>,
        %mul3A_357 = arith.constant 3 : i32
        %mul3A_358 = vector.broadcast %mul3A_357 : i32 to vector<16xi32>
        %mul3A_359 = arith.muli %get3A_354, %mul3A_358 : vector<16xi32>
        %add3A_360 = arith.addi %mul3A_359, %get3A_356 : vector<16xi32>
        %jit3A_361 = arith.constant 0 : i32
        %jit3A_362 = arith.constant 17 : i32
        %max3A_363 = vector.broadcast %jit3A_361 : i32 to vector<16xi32>
        %max3A_364 = arith.maxsi %max3A_363, %add3A_360 : vector<16xi32>
        %min3A_365 = vector.broadcast %jit3A_362 : i32 to vector<16xi32>
        %min3A_366 = arith.minsi %min3A_365, %max3A_364 : vector<16xi32>
        %mul3A_367 = arith.constant 64 : i32
        %mul3A_368 = vector.broadcast %mul3A_367 : i32 to vector<16xi32>
        %mul3A_369 = arith.muli %min3A_366, %mul3A_368 : vector<16xi32>
        %swap3A_370 = arith.constant 240 : index
        %swap3A_371 = tpu.vector_load %arg11[%swap3A_370] {strides = array<i32>} : memref<400xi32, #tpu.memory_space<vmem>>, vector<16xi32>,
        tpu.vector_store %arg11[%swap3A_370], %mul3A_369 {strides = array<i32>} : memref<400xi32, #tpu.memory_space<vmem>>, vector<16xi32>,
        %get3A_372 = arith.constant 256 : index
        %get3A_373 = tpu.vector_load %arg7[%get3A_372] {strides = array<i32>} : memref<400xi32, #tpu.memory_space<vmem>>, vector<16xi32>,
        %get3A_374 = arith.constant 256 : index
        %get3A_375 = tpu.vector_load %arg9[%get3A_374] {strides = array<i32>} : memref<400xi32, #tpu.memory_space<vmem>>, vector<16xi32>,
        %mul3A_376 = arith.constant 3 : i32
        %mul3A_377 = vector.broadcast %mul3A_376 : i32 to vector<16xi32>
        %mul3A_378 = arith.muli %get3A_373, %mul3A_377 : vector<16xi32>
        %add3A_379 = arith.addi %mul3A_378, %get3A_375 : vector<16xi32>
        %jit3A_380 = arith.constant 0 : i32
        %jit3A_381 = arith.constant 17 : i32
        %max3A_382 = vector.broadcast %jit3A_380 : i32 to vector<16xi32>
        %max3A_383 = arith.maxsi %max3A_382, %add3A_379 : vector<16xi32>
        %min3A_384 = vector.broadcast %jit3A_381 : i32 to vector<16xi32>
        %min3A_385 = arith.minsi %min3A_384, %max3A_383 : vector<16xi32>
        %mul3A_386 = arith.constant 64 : i32
        %mul3A_387 = vector.broadcast %mul3A_386 : i32 to vector<16xi32>
        %mul3A_388 = arith.muli %min3A_385, %mul3A_387 : vector<16xi32>
        %swap3A_389 = arith.constant 256 : index
        %swap3A_390 = tpu.vector_load %arg11[%swap3A_389] {strides = array<i32>} : memref<400xi32, #tpu.memory_space<vmem>>, vector<16xi32>,
        tpu.vector_store %arg11[%swap3A_389], %mul3A_388 {strides = array<i32>} : memref<400xi32, #tpu.memory_space<vmem>>, vector<16xi32>,
        %get3A_391 = arith.constant 272 : index
        %get3A_392 = tpu.vector_load %arg7[%get3A_391] {strides = array<i32>} : memref<400xi32, #tpu.memory_space<vmem>>, vector<16xi32>,
        %get3A_393 = arith.constant 272 : index
        %get3A_394 = tpu.vector_load %arg9[%get3A_393] {strides = array<i32>} : memref<400xi32, #tpu.memory_space<vmem>>, vector<16xi32>,
        %mul3A_395 = arith.constant 3 : i32
        %mul3A_396 = vector.broadcast %mul3A_395 : i32 to vector<16xi32>
        %mul3A_397 = arith.muli %get3A_392, %mul3A_396 : vector<16xi32>
        %add3A_398 = arith.addi %mul3A_397, %get3A_394 : vector<16xi32>
        %jit3A_399 = arith.constant 0 : i32
        %jit3A_400 = arith.constant 17 : i32
        %max3A_401 = vector.broadcast %jit3A_399 : i32 to vector<16xi32>
        %max3A_402 = arith.maxsi %max3A_401, %add3A_398 : vector<16xi32>
        %min3A_403 = vector.broadcast %jit3A_400 : i32 to vector<16xi32>
        %min3A_404 = arith.minsi %min3A_403, %max3A_402 : vector<16xi32>
        %mul3A_405 = arith.constant 64 : i32
        %mul3A_406 = vector.broadcast %mul3A_405 : i32 to vector<16xi32>
        %mul3A_407 = arith.muli %min3A_404, %mul3A_406 : vector<16xi32>
        %swap3A_408 = arith.constant 272 : index
        %swap3A_409 = tpu.vector_load %arg11[%swap3A_408] {strides = array<i32>} : memref<400xi32, #tpu.memory_space<vmem>>, vector<16xi32>,
        tpu.vector_store %arg11[%swap3A_408], %mul3A_407 {strides = array<i32>} : memref<400xi32, #tpu.memory_space<vmem>>, vector<16xi32>,
        %get3A_410 = arith.constant 288 : index
        %get3A_411 = tpu.vector_load %arg7[%get3A_410] {strides = array<i32>} : memref<400xi32, #tpu.memory_space<vmem>>, vector<16xi32>,
        %get3A_412 = arith.constant 288 : index
        %get3A_413 = tpu.vector_load %arg9[%get3A_412] {strides = array<i32>} : memref<400xi32, #tpu.memory_space<vmem>>, vector<16xi32>,
        %mul3A_414 = arith.constant 3 : i32
        %mul3A_415 = vector.broadcast %mul3A_414 : i32 to vector<16xi32>
        %mul3A_416 = arith.muli %get3A_411, %mul3A_415 : vector<16xi32>
        %add3A_417 = arith.addi %mul3A_416, %get3A_413 : vector<16xi32>
        %jit3A_418 = arith.constant 0 : i32
        %jit3A_419 = arith.constant 17 : i32
        %max3A_420 = vector.broadcast %jit3A_418 : i32 to vector<16xi32>
        %max3A_421 = arith.maxsi %max3A_420, %add3A_417 : vector<16xi32>
        %min3A_422 = vector.broadcast %jit3A_419 : i32 to vector<16xi32>
        %min3A_423 = arith.minsi %min3A_422, %max3A_421 : vector<16xi32>
        %mul3A_424 = arith.constant 64 : i32
        %mul3A_425 = vector.broadcast %mul3A_424 : i32 to vector<16xi32>
        %mul3A_426 = arith.muli %min3A_423, %mul3A_425 : vector<16xi32>
        %swap3A_427 = arith.constant 288 : index
        %swap3A_428 = tpu.vector_load %arg11[%swap3A_427] {strides = array<i32>} : memref<400xi32, #tpu.memory_space<vmem>>, vector<16xi32>,
        tpu.vector_store %arg11[%swap3A_427], %mul3A_426 {strides = array<i32>} : memref<400xi32, #tpu.memory_space<vmem>>, vector<16xi32>,
        %get3A_429 = arith.constant 304 : index
        %get3A_430 = tpu.vector_load %arg7[%get3A_429] {strides = array<i32>} : memref<400xi32, #tpu.memory_space<vmem>>, vector<16xi32>,
        %get3A_431 = arith.constant 304 : index
        %get3A_432 = tpu.vector_load %arg9[%get3A_431] {strides = array<i32>} : memref<400xi32, #tpu.memory_space<vmem>>, vector<16xi32>,
        %mul3A_433 = arith.constant 3 : i32
        %mul3A_434 = vector.broadcast %mul3A_433 : i32 to vector<16xi32>
        %mul3A_435 = arith.muli %get3A_430, %mul3A_434 : vector<16xi32>
        %add3A_436 = arith.addi %mul3A_435, %get3A_432 : vector<16xi32>
        %jit3A_437 = arith.constant 0 : i32
        %jit3A_438 = arith.constant 17 : i32
        %max3A_439 = vector.broadcast %jit3A_437 : i32 to vector<16xi32>
        %max3A_440 = arith.maxsi %max3A_439, %add3A_436 : vector<16xi32>
        %min3A_441 = vector.broadcast %jit3A_438 : i32 to vector<16xi32>
        %min3A_442 = arith.minsi %min3A_441, %max3A_440 : vector<16xi32>
        %mul3A_443 = arith.constant 64 : i32
        %mul3A_444 = vector.broadcast %mul3A_443 : i32 to vector<16xi32>
        %mul3A_445 = arith.muli %min3A_442, %mul3A_444 : vector<16xi32>
        %swap3A_446 = arith.constant 304 : index
        %swap3A_447 = tpu.vector_load %arg11[%swap3A_446] {strides = array<i32>} : memref<400xi32, #tpu.memory_space<vmem>>, vector<16xi32>,
        tpu.vector_store %arg11[%swap3A_446], %mul3A_445 {strides = array<i32>} : memref<400xi32, #tpu.memory_space<vmem>>, vector<16xi32>,
        %get3A_448 = arith.constant 320 : index
        %get3A_449 = tpu.vector_load %arg7[%get3A_448] {strides = array<i32>} : memref<400xi32, #tpu.memory_space<vmem>>, vector<16xi32>,
        %get3A_450 = arith.constant 320 : index
        %get3A_451 = tpu.vector_load %arg9[%get3A_450] {strides = array<i32>} : memref<400xi32, #tpu.memory_space<vmem>>, vector<16xi32>,
        %mul3A_452 = arith.constant 3 : i32
        %mul3A_453 = vector.broadcast %mul3A_452 : i32 to vector<16xi32>
        %mul3A_454 = arith.muli %get3A_449, %mul3A_453 : vector<16xi32>
        %add3A_455 = arith.addi %mul3A_454, %get3A_451 : vector<16xi32>
        %jit3A_456 = arith.constant 0 : i32
        %jit3A_457 = arith.constant 17 : i32
        %max3A_458 = vector.broadcast %jit3A_456 : i32 to vector<16xi32>
        %max3A_459 = arith.maxsi %max3A_458, %add3A_455 : vector<16xi32>
        %min3A_460 = vector.broadcast %jit3A_457 : i32 to vector<16xi32>
        %min3A_461 = arith.minsi %min3A_460, %max3A_459 : vector<16xi32>
        %mul3A_462 = arith.constant 64 : i32
        %mul3A_463 = vector.broadcast %mul3A_462 : i32 to vector<16xi32>
        %mul3A_464 = arith.muli %min3A_461, %mul3A_463 : vector<16xi32>
        %swap3A_465 = arith.constant 320 : index
        %swap3A_466 = tpu.vector_load %arg11[%swap3A_465] {strides = array<i32>} : memref<400xi32, #tpu.memory_space<vmem>>, vector<16xi32>,
        tpu.vector_store %arg11[%swap3A_465], %mul3A_464 {strides = array<i32>} : memref<400xi32, #tpu.memory_space<vmem>>, vector<16xi32>,
        %get3A_467 = arith.constant 336 : index
        %get3A_468 = tpu.vector_load %arg7[%get3A_467] {strides = array<i32>} : memref<400xi32, #tpu.memory_space<vmem>>, vector<16xi32>,
        %get3A_469 = arith.constant 336 : index
        %get3A_470 = tpu.vector_load %arg9[%get3A_469] {strides = array<i32>} : memref<400xi32, #tpu.memory_space<vmem>>, vector<16xi32>,
        %mul3A_471 = arith.constant 3 : i32
        %mul3A_472 = vector.broadcast %mul3A_471 : i32 to vector<16xi32>
        %mul3A_473 = arith.muli %get3A_468, %mul3A_472 : vector<16xi32>
        %add3A_474 = arith.addi %mul3A_473, %get3A_470 : vector<16xi32>
        %jit3A_475 = arith.constant 0 : i32
        %jit3A_476 = arith.constant 17 : i32
        %max3A_477 = vector.broadcast %jit3A_475 : i32 to vector<16xi32>
        %max3A_478 = arith.maxsi %max3A_477, %add3A_474 : vector<16xi32>
        %min3A_479 = vector.broadcast %jit3A_476 : i32 to vector<16xi32>
        %min3A_480 = arith.minsi %min3A_479, %max3A_478 : vector<16xi32>
        %mul3A_481 = arith.constant 64 : i32
        %mul3A_482 = vector.broadcast %mul3A_481 : i32 to vector<16xi32>
        %mul3A_483 = arith.muli %min3A_480, %mul3A_482 : vector<16xi32>
        %swap3A_484 = arith.constant 336 : index
        %swap3A_485 = tpu.vector_load %arg11[%swap3A_484] {strides = array<i32>} : memref<400xi32, #tpu.memory_space<vmem>>, vector<16xi32>,
        tpu.vector_store %arg11[%swap3A_484], %mul3A_483 {strides = array<i32>} : memref<400xi32, #tpu.memory_space<vmem>>, vector<16xi32>,
        %get3A_486 = arith.constant 352 : index
        %get3A_487 = tpu.vector_load %arg7[%get3A_486] {strides = array<i32>} : memref<400xi32, #tpu.memory_space<vmem>>, vector<16xi32>,
        %get3A_488 = arith.constant 352 : index
        %get3A_489 = tpu.vector_load %arg9[%get3A_488] {strides = array<i32>} : memref<400xi32, #tpu.memory_space<vmem>>, vector<16xi32>,
        %mul3A_490 = arith.constant 3 : i32
        %mul3A_491 = vector.broadcast %mul3A_490 : i32 to vector<16xi32>
        %mul3A_492 = arith.muli %get3A_487, %mul3A_491 : vector<16xi32>
        %add3A_493 = arith.addi %mul3A_492, %get3A_489 : vector<16xi32>
        %jit3A_494 = arith.constant 0 : i32
        %jit3A_495 = arith.constant 17 : i32
        %max3A_496 = vector.broadcast %jit3A_494 : i32 to vector<16xi32>
        %max3A_497 = arith.maxsi %max3A_496, %add3A_493 : vector<16xi32>
        %min3A_498 = vector.broadcast %jit3A_495 : i32 to vector<16xi32>
        %min3A_499 = arith.minsi %min3A_498, %max3A_497 : vector<16xi32>
        %mul3A_500 = arith.constant 64 : i32
        %mul3A_501 = vector.broadcast %mul3A_500 : i32 to vector<16xi32>
        %mul3A_502 = arith.muli %min3A_499, %mul3A_501 : vector<16xi32>
        %swap3A_503 = arith.constant 352 : index
        %swap3A_504 = tpu.vector_load %arg11[%swap3A_503] {strides = array<i32>} : memref<400xi32, #tpu.memory_space<vmem>>, vector<16xi32>,
        tpu.vector_store %arg11[%swap3A_503], %mul3A_502 {strides = array<i32>} : memref<400xi32, #tpu.memory_space<vmem>>, vector<16xi32>,
        %get3A_505 = arith.constant 368 : index
        %get3A_506 = tpu.vector_load %arg7[%get3A_505] {strides = array<i32>} : memref<400xi32, #tpu.memory_space<vmem>>, vector<16xi32>,
        %get3A_507 = arith.constant 368 : index
        %get3A_508 = tpu.vector_load %arg9[%get3A_507] {strides = array<i32>} : memref<400xi32, #tpu.memory_space<vmem>>, vector<16xi32>,
        %mul3A_509 = arith.constant 3 : i32
        %mul3A_510 = vector.broadcast %mul3A_509 : i32 to vector<16xi32>
        %mul3A_511 = arith.muli %get3A_506, %mul3A_510 : vector<16xi32>
        %add3A_512 = arith.addi %mul3A_511, %get3A_508 : vector<16xi32>
        %jit3A_513 = arith.constant 0 : i32
        %jit3A_514 = arith.constant 17 : i32
        %max3A_515 = vector.broadcast %jit3A_513 : i32 to vector<16xi32>
        %max3A_516 = arith.maxsi %max3A_515, %add3A_512 : vector<16xi32>
        %min3A_517 = vector.broadcast %jit3A_514 : i32 to vector<16xi32>
        %min3A_518 = arith.minsi %min3A_517, %max3A_516 : vector<16xi32>
        %mul3A_519 = arith.constant 64 : i32
        %mul3A_520 = vector.broadcast %mul3A_519 : i32 to vector<16xi32>
        %mul3A_521 = arith.muli %min3A_518, %mul3A_520 : vector<16xi32>
        %swap3A_522 = arith.constant 368 : index
        %swap3A_523 = tpu.vector_load %arg11[%swap3A_522] {strides = array<i32>} : memref<400xi32, #tpu.memory_space<vmem>>, vector<16xi32>,
        tpu.vector_store %arg11[%swap3A_522], %mul3A_521 {strides = array<i32>} : memref<400xi32, #tpu.memory_space<vmem>>, vector<16xi32>,
        %get3A_524 = arith.constant 384 : index
        %get3A_525 = tpu.vector_load %arg7[%get3A_524] {strides = array<i32>} : memref<400xi32, #tpu.memory_space<vmem>>, vector<16xi32>,
        %get3A_526 = arith.constant 384 : index
        %get3A_527 = tpu.vector_load %arg9[%get3A_526] {strides = array<i32>} : memref<400xi32, #tpu.memory_space<vmem>>, vector<16xi32>,
        %mul3A_528 = arith.constant 3 : i32
        %mul3A_529 = vector.broadcast %mul3A_528 : i32 to vector<16xi32>
        %mul3A_530 = arith.muli %get3A_525, %mul3A_529 : vector<16xi32>
        %add3A_531 = arith.addi %mul3A_530, %get3A_527 : vector<16xi32>
        %jit3A_532 = arith.constant 0 : i32
        %jit3A_533 = arith.constant 17 : i32
        %max3A_534 = vector.broadcast %jit3A_532 : i32 to vector<16xi32>
        %max3A_535 = arith.maxsi %max3A_534, %add3A_531 : vector<16xi32>
        %min3A_536 = vector.broadcast %jit3A_533 : i32 to vector<16xi32>
        %min3A_537 = arith.minsi %min3A_536, %max3A_535 : vector<16xi32>
        %mul3A_538 = arith.constant 64 : i32
        %mul3A_539 = vector.broadcast %mul3A_538 : i32 to vector<16xi32>
        %mul3A_540 = arith.muli %min3A_537, %mul3A_539 : vector<16xi32>
        %swap3A_541 = arith.constant 384 : index
        %swap3A_542 = tpu.vector_load %arg11[%swap3A_541] {strides = array<i32>} : memref<400xi32, #tpu.memory_space<vmem>>, vector<16xi32>,
        tpu.vector_store %arg11[%swap3A_541], %mul3A_540 {strides = array<i32>} : memref<400xi32, #tpu.memory_space<vmem>>, vector<16xi32>,
        %scan3A_543 = arith.constant 0 : i32
        %scan3A_544 = arith.constant 0 : i32
        %scan3A_545 = arith.constant 64 : i32
        %scan3A_546 = arith.addi %scan3A_544, %scan3A_545 : i32
        %scan3A_547 = arith.constant 1 : i32
        scf.for %scan3A_552 = %scan3A_544 to %scan3A_546 step %scan3A_547  : i32 {
          %add3A_553 = vector.broadcast %scan3A_552 : i32 to vector<16xi32>
          %add3A_554 = arith.addi %iota3A, %add3A_553 : vector<16xi32>
          %and3A = arith.constant 63 : i32
          %and3A_555 = vector.broadcast %and3A : i32 to vector<16xi32>
          %and3A_556 = arith.andi %add3A_554, %and3A_555 : vector<16xi32>
          %get3A_557 = arith.constant 0 : index
          %get3A_558 = tpu.vector_load %arg11[%get3A_557] {strides = array<i32>} : memref<400xi32, #tpu.memory_space<vmem>>, vector<16xi32>,
          %add3A_559 = arith.addi %get3A_558, %and3A_556 : vector<16xi32>
          %gather3A = tpu.vector_load_idx %arg10[%add3A_559] : memref<1152xf32, #tpu.memory_space<vmem>>[vector<16xi32>], vector<16xf32>,
          %get3A_560 = arith.constant 16 : index
          %get3A_561 = tpu.vector_load %arg11[%get3A_560] {strides = array<i32>} : memref<400xi32, #tpu.memory_space<vmem>>, vector<16xi32>,
          %add3A_562 = arith.addi %get3A_561, %and3A_556 : vector<16xi32>
          %gather3A_563 = tpu.vector_load_idx %arg10[%add3A_562] : memref<1152xf32, #tpu.memory_space<vmem>>[vector<16xi32>], vector<16xf32>,
          %get3A_564 = arith.constant 32 : index
          %get3A_565 = tpu.vector_load %arg11[%get3A_564] {strides = array<i32>} : memref<400xi32, #tpu.memory_space<vmem>>, vector<16xi32>,
          %add3A_566 = arith.addi %get3A_565, %and3A_556 : vector<16xi32>
          %gather3A_567 = tpu.vector_load_idx %arg10[%add3A_566] : memref<1152xf32, #tpu.memory_space<vmem>>[vector<16xi32>], vector<16xf32>,
          %get3A_568 = arith.constant 48 : index
          %get3A_569 = tpu.vector_load %arg11[%get3A_568] {strides = array<i32>} : memref<400xi32, #tpu.memory_space<vmem>>, vector<16xi32>,
          %add3A_570 = arith.addi %get3A_569, %and3A_556 : vector<16xi32>
          %gather3A_571 = tpu.vector_load_idx %arg10[%add3A_570] : memref<1152xf32, #tpu.memory_space<vmem>>[vector<16xi32>], vector<16xf32>,
          %get3A_572 = arith.constant 64 : index
          %get3A_573 = tpu.vector_load %arg11[%get3A_572] {strides = array<i32>} : memref<400xi32, #tpu.memory_space<vmem>>, vector<16xi32>,
          %add3A_574 = arith.addi %get3A_573, %and3A_556 : vector<16xi32>
          %gather3A_575 = tpu.vector_load_idx %arg10[%add3A_574] : memref<1152xf32, #tpu.memory_space<vmem>>[vector<16xi32>], vector<16xf32>,
          %get3A_576 = arith.constant 80 : index
          %get3A_577 = tpu.vector_load %arg11[%get3A_576] {strides = array<i32>} : memref<400xi32, #tpu.memory_space<vmem>>, vector<16xi32>,
          %add3A_578 = arith.addi %get3A_577, %and3A_556 : vector<16xi32>
          %gather3A_579 = tpu.vector_load_idx %arg10[%add3A_578] : memref<1152xf32, #tpu.memory_space<vmem>>[vector<16xi32>], vector<16xf32>,
          %get3A_580 = arith.constant 96 : index
          %get3A_581 = tpu.vector_load %arg11[%get3A_580] {strides = array<i32>} : memref<400xi32, #tpu.memory_space<vmem>>, vector<16xi32>,
          %add3A_582 = arith.addi %get3A_581, %and3A_556 : vector<16xi32>
          %gather3A_583 = tpu.vector_load_idx %arg10[%add3A_582] : memref<1152xf32, #tpu.memory_space<vmem>>[vector<16xi32>], vector<16xf32>,
          %get3A_584 = arith.constant 112 : index
          %get3A_585 = tpu.vector_load %arg11[%get3A_584] {strides = array<i32>} : memref<400xi32, #tpu.memory_space<vmem>>, vector<16xi32>,
          %add3A_586 = arith.addi %get3A_585, %and3A_556 : vector<16xi32>
          %gather3A_587 = tpu.vector_load_idx %arg10[%add3A_586] : memref<1152xf32, #tpu.memory_space<vmem>>[vector<16xi32>], vector<16xf32>,
          %add3A_588 = arith.constant 0 : i32
          %add3A_589 = vector.broadcast %add3A_588 : i32 to vector<16xi32>
          %add3A_590 = arith.addi %iota3A, %add3A_589 : vector<16xi32>
          tpu.vector_store_idx %arg13[%add3A_590, %and3A_556], %gather3A : memref<400x64xf32, #tpu.memory_space<vmem>>[vector<16xi32>, vector<16xi32>], vector<16xf32>,
          %add3A_591 = arith.constant 16 : i32
          %add3A_592 = vector.broadcast %add3A_591 : i32 to vector<16xi32>
          %add3A_593 = arith.addi %iota3A, %add3A_592 : vector<16xi32>
          tpu.vector_store_idx %arg13[%add3A_593, %and3A_556], %gather3A_563 : memref<400x64xf32, #tpu.memory_space<vmem>>[vector<16xi32>, vector<16xi32>], vector<16xf32>,
          %add3A_594 = arith.constant 32 : i32
          %add3A_595 = vector.broadcast %add3A_594 : i32 to vector<16xi32>
          %add3A_596 = arith.addi %iota3A, %add3A_595 : vector<16xi32>
          tpu.vector_store_idx %arg13[%add3A_596, %and3A_556], %gather3A_567 : memref<400x64xf32, #tpu.memory_space<vmem>>[vector<16xi32>, vector<16xi32>], vector<16xf32>,
          %add3A_597 = arith.constant 48 : i32
          %add3A_598 = vector.broadcast %add3A_597 : i32 to vector<16xi32>
          %add3A_599 = arith.addi %iota3A, %add3A_598 : vector<16xi32>
          tpu.vector_store_idx %arg13[%add3A_599, %and3A_556], %gather3A_571 : memref<400x64xf32, #tpu.memory_space<vmem>>[vector<16xi32>, vector<16xi32>], vector<16xf32>,
          %add3A_600 = arith.constant 64 : i32
          %add3A_601 = vector.broadcast %add3A_600 : i32 to vector<16xi32>
          %add3A_602 = arith.addi %iota3A, %add3A_601 : vector<16xi32>
          tpu.vector_store_idx %arg13[%add3A_602, %and3A_556], %gather3A_575 : memref<400x64xf32, #tpu.memory_space<vmem>>[vector<16xi32>, vector<16xi32>], vector<16xf32>,
          %add3A_603 = arith.constant 80 : i32
          %add3A_604 = vector.broadcast %add3A_603 : i32 to vector<16xi32>
          %add3A_605 = arith.addi %iota3A, %add3A_604 : vector<16xi32>
          tpu.vector_store_idx %arg13[%add3A_605, %and3A_556], %gather3A_579 : memref<400x64xf32, #tpu.memory_space<vmem>>[vector<16xi32>, vector<16xi32>], vector<16xf32>,
          %add3A_606 = arith.constant 96 : i32
          %add3A_607 = vector.broadcast %add3A_606 : i32 to vector<16xi32>
          %add3A_608 = arith.addi %iota3A, %add3A_607 : vector<16xi32>
          tpu.vector_store_idx %arg13[%add3A_608, %and3A_556], %gather3A_583 : memref<400x64xf32, #tpu.memory_space<vmem>>[vector<16xi32>, vector<16xi32>], vector<16xf32>,
          %add3A_609 = arith.constant 112 : i32
          %add3A_610 = vector.broadcast %add3A_609 : i32 to vector<16xi32>
          %add3A_611 = arith.addi %iota3A, %add3A_610 : vector<16xi32>
          tpu.vector_store_idx %arg13[%add3A_611, %and3A_556], %gather3A_587 : memref<400x64xf32, #tpu.memory_space<vmem>>[vector<16xi32>, vector<16xi32>], vector<16xf32>,
          %get3A_612 = arith.constant 128 : index
          %get3A_613 = tpu.vector_load %arg11[%get3A_612] {strides = array<i32>} : memref<400xi32, #tpu.memory_space<vmem>>, vector<16xi32>,
          %add3A_614 = arith.addi %get3A_613, %and3A_556 : vector<16xi32>
          %gather3A_615 = tpu.vector_load_idx %arg10[%add3A_614] : memref<1152xf32, #tpu.memory_space<vmem>>[vector<16xi32>], vector<16xf32>,
          %get3A_616 = arith.constant 144 : index
          %get3A_617 = tpu.vector_load %arg11[%get3A_616] {strides = array<i32>} : memref<400xi32, #tpu.memory_space<vmem>>, vector<16xi32>,
          %add3A_618 = arith.addi %get3A_617, %and3A_556 : vector<16xi32>
          %gather3A_619 = tpu.vector_load_idx %arg10[%add3A_618] : memref<1152xf32, #tpu.memory_space<vmem>>[vector<16xi32>], vector<16xf32>,
          %get3A_620 = arith.constant 160 : index
          %get3A_621 = tpu.vector_load %arg11[%get3A_620] {strides = array<i32>} : memref<400xi32, #tpu.memory_space<vmem>>, vector<16xi32>,
          %add3A_622 = arith.addi %get3A_621, %and3A_556 : vector<16xi32>
          %gather3A_623 = tpu.vector_load_idx %arg10[%add3A_622] : memref<1152xf32, #tpu.memory_space<vmem>>[vector<16xi32>], vector<16xf32>,
          %get3A_624 = arith.constant 176 : index
          %get3A_625 = tpu.vector_load %arg11[%get3A_624] {strides = array<i32>} : memref<400xi32, #tpu.memory_space<vmem>>, vector<16xi32>,
          %add3A_626 = arith.addi %get3A_625, %and3A_556 : vector<16xi32>
          %gather3A_627 = tpu.vector_load_idx %arg10[%add3A_626] : memref<1152xf32, #tpu.memory_space<vmem>>[vector<16xi32>], vector<16xf32>,
          %get3A_628 = arith.constant 192 : index
          %get3A_629 = tpu.vector_load %arg11[%get3A_628] {strides = array<i32>} : memref<400xi32, #tpu.memory_space<vmem>>, vector<16xi32>,
          %add3A_630 = arith.addi %get3A_629, %and3A_556 : vector<16xi32>
          %gather3A_631 = tpu.vector_load_idx %arg10[%add3A_630] : memref<1152xf32, #tpu.memory_space<vmem>>[vector<16xi32>], vector<16xf32>,
          %get3A_632 = arith.constant 208 : index
          %get3A_633 = tpu.vector_load %arg11[%get3A_632] {strides = array<i32>} : memref<400xi32, #tpu.memory_space<vmem>>, vector<16xi32>,
          %add3A_634 = arith.addi %get3A_633, %and3A_556 : vector<16xi32>
          %gather3A_635 = tpu.vector_load_idx %arg10[%add3A_634] : memref<1152xf32, #tpu.memory_space<vmem>>[vector<16xi32>], vector<16xf32>,
          %get3A_636 = arith.constant 224 : index
          %get3A_637 = tpu.vector_load %arg11[%get3A_636] {strides = array<i32>} : memref<400xi32, #tpu.memory_space<vmem>>, vector<16xi32>,
          %add3A_638 = arith.addi %get3A_637, %and3A_556 : vector<16xi32>
          %gather3A_639 = tpu.vector_load_idx %arg10[%add3A_638] : memref<1152xf32, #tpu.memory_space<vmem>>[vector<16xi32>], vector<16xf32>,
          %get3A_640 = arith.constant 240 : index
          %get3A_641 = tpu.vector_load %arg11[%get3A_640] {strides = array<i32>} : memref<400xi32, #tpu.memory_space<vmem>>, vector<16xi32>,
          %add3A_642 = arith.addi %get3A_641, %and3A_556 : vector<16xi32>
          %gather3A_643 = tpu.vector_load_idx %arg10[%add3A_642] : memref<1152xf32, #tpu.memory_space<vmem>>[vector<16xi32>], vector<16xf32>,
          %add3A_644 = arith.constant 128 : i32
          %add3A_645 = vector.broadcast %add3A_644 : i32 to vector<16xi32>
          %add3A_646 = arith.addi %iota3A, %add3A_645 : vector<16xi32>
          tpu.vector_store_idx %arg13[%add3A_646, %and3A_556], %gather3A_615 : memref<400x64xf32, #tpu.memory_space<vmem>>[vector<16xi32>, vector<16xi32>], vector<16xf32>,
          %add3A_647 = arith.constant 144 : i32
          %add3A_648 = vector.broadcast %add3A_647 : i32 to vector<16xi32>
          %add3A_649 = arith.addi %iota3A, %add3A_648 : vector<16xi32>
          tpu.vector_store_idx %arg13[%add3A_649, %and3A_556], %gather3A_619 : memref<400x64xf32, #tpu.memory_space<vmem>>[vector<16xi32>, vector<16xi32>], vector<16xf32>,
          %add3A_650 = arith.constant 160 : i32
          %add3A_651 = vector.broadcast %add3A_650 : i32 to vector<16xi32>
          %add3A_652 = arith.addi %iota3A, %add3A_651 : vector<16xi32>
          tpu.vector_store_idx %arg13[%add3A_652, %and3A_556], %gather3A_623 : memref<400x64xf32, #tpu.memory_space<vmem>>[vector<16xi32>, vector<16xi32>], vector<16xf32>,
          %add3A_653 = arith.constant 176 : i32
          %add3A_654 = vector.broadcast %add3A_653 : i32 to vector<16xi32>
          %add3A_655 = arith.addi %iota3A, %add3A_654 : vector<16xi32>
          tpu.vector_store_idx %arg13[%add3A_655, %and3A_556], %gather3A_627 : memref<400x64xf32, #tpu.memory_space<vmem>>[vector<16xi32>, vector<16xi32>], vector<16xf32>,
          %add3A_656 = arith.constant 192 : i32
          %add3A_657 = vector.broadcast %add3A_656 : i32 to vector<16xi32>
          %add3A_658 = arith.addi %iota3A, %add3A_657 : vector<16xi32>
          tpu.vector_store_idx %arg13[%add3A_658, %and3A_556], %gather3A_631 : memref<400x64xf32, #tpu.memory_space<vmem>>[vector<16xi32>, vector<16xi32>], vector<16xf32>,
          %add3A_659 = arith.constant 208 : i32
          %add3A_660 = vector.broadcast %add3A_659 : i32 to vector<16xi32>
          %add3A_661 = arith.addi %iota3A, %add3A_660 : vector<16xi32>
          tpu.vector_store_idx %arg13[%add3A_661, %and3A_556], %gather3A_635 : memref<400x64xf32, #tpu.memory_space<vmem>>[vector<16xi32>, vector<16xi32>], vector<16xf32>,
          %add3A_662 = arith.constant 224 : i32
          %add3A_663 = vector.broadcast %add3A_662 : i32 to vector<16xi32>
          %add3A_664 = arith.addi %iota3A, %add3A_663 : vector<16xi32>
          tpu.vector_store_idx %arg13[%add3A_664, %and3A_556], %gather3A_639 : memref<400x64xf32, #tpu.memory_space<vmem>>[vector<16xi32>, vector<16xi32>], vector<16xf32>,
          %add3A_665 = arith.constant 240 : i32
          %add3A_666 = vector.broadcast %add3A_665 : i32 to vector<16xi32>
          %add3A_667 = arith.addi %iota3A, %add3A_666 : vector<16xi32>
          tpu.vector_store_idx %arg13[%add3A_667, %and3A_556], %gather3A_643 : memref<400x64xf32, #tpu.memory_space<vmem>>[vector<16xi32>, vector<16xi32>], vector<16xf32>,
          %get3A_668 = arith.constant 256 : index
          %get3A_669 = tpu.vector_load %arg11[%get3A_668] {strides = array<i32>} : memref<400xi32, #tpu.memory_space<vmem>>, vector<16xi32>,
          %add3A_670 = arith.addi %get3A_669, %and3A_556 : vector<16xi32>
          %gather3A_671 = tpu.vector_load_idx %arg10[%add3A_670] : memref<1152xf32, #tpu.memory_space<vmem>>[vector<16xi32>], vector<16xf32>,
          %get3A_672 = arith.constant 272 : index
          %get3A_673 = tpu.vector_load %arg11[%get3A_672] {strides = array<i32>} : memref<400xi32, #tpu.memory_space<vmem>>, vector<16xi32>,
          %add3A_674 = arith.addi %get3A_673, %and3A_556 : vector<16xi32>
          %gather3A_675 = tpu.vector_load_idx %arg10[%add3A_674] : memref<1152xf32, #tpu.memory_space<vmem>>[vector<16xi32>], vector<16xf32>,
          %get3A_676 = arith.constant 288 : index
          %get3A_677 = tpu.vector_load %arg11[%get3A_676] {strides = array<i32>} : memref<400xi32, #tpu.memory_space<vmem>>, vector<16xi32>,
          %add3A_678 = arith.addi %get3A_677, %and3A_556 : vector<16xi32>
          %gather3A_679 = tpu.vector_load_idx %arg10[%add3A_678] : memref<1152xf32, #tpu.memory_space<vmem>>[vector<16xi32>], vector<16xf32>,
          %get3A_680 = arith.constant 304 : index
          %get3A_681 = tpu.vector_load %arg11[%get3A_680] {strides = array<i32>} : memref<400xi32, #tpu.memory_space<vmem>>, vector<16xi32>,
          %add3A_682 = arith.addi %get3A_681, %and3A_556 : vector<16xi32>
          %gather3A_683 = tpu.vector_load_idx %arg10[%add3A_682] : memref<1152xf32, #tpu.memory_space<vmem>>[vector<16xi32>], vector<16xf32>,
          %get3A_684 = arith.constant 320 : index
          %get3A_685 = tpu.vector_load %arg11[%get3A_684] {strides = array<i32>} : memref<400xi32, #tpu.memory_space<vmem>>, vector<16xi32>,
          %add3A_686 = arith.addi %get3A_685, %and3A_556 : vector<16xi32>
          %gather3A_687 = tpu.vector_load_idx %arg10[%add3A_686] : memref<1152xf32, #tpu.memory_space<vmem>>[vector<16xi32>], vector<16xf32>,
          %get3A_688 = arith.constant 336 : index
          %get3A_689 = tpu.vector_load %arg11[%get3A_688] {strides = array<i32>} : memref<400xi32, #tpu.memory_space<vmem>>, vector<16xi32>,
          %add3A_690 = arith.addi %get3A_689, %and3A_556 : vector<16xi32>
          %gather3A_691 = tpu.vector_load_idx %arg10[%add3A_690] : memref<1152xf32, #tpu.memory_space<vmem>>[vector<16xi32>], vector<16xf32>,
          %get3A_692 = arith.constant 352 : index
          %get3A_693 = tpu.vector_load %arg11[%get3A_692] {strides = array<i32>} : memref<400xi32, #tpu.memory_space<vmem>>, vector<16xi32>,
          %add3A_694 = arith.addi %get3A_693, %and3A_556 : vector<16xi32>
          %gather3A_695 = tpu.vector_load_idx %arg10[%add3A_694] : memref<1152xf32, #tpu.memory_space<vmem>>[vector<16xi32>], vector<16xf32>,
          %get3A_696 = arith.constant 368 : index
          %get3A_697 = tpu.vector_load %arg11[%get3A_696] {strides = array<i32>} : memref<400xi32, #tpu.memory_space<vmem>>, vector<16xi32>,
          %add3A_698 = arith.addi %get3A_697, %and3A_556 : vector<16xi32>
          %gather3A_699 = tpu.vector_load_idx %arg10[%add3A_698] : memref<1152xf32, #tpu.memory_space<vmem>>[vector<16xi32>], vector<16xf32>,
          %add3A_700 = arith.constant 256 : i32
          %add3A_701 = vector.broadcast %add3A_700 : i32 to vector<16xi32>
          %add3A_702 = arith.addi %iota3A, %add3A_701 : vector<16xi32>
          tpu.vector_store_idx %arg13[%add3A_702, %and3A_556], %gather3A_671 : memref<400x64xf32, #tpu.memory_space<vmem>>[vector<16xi32>, vector<16xi32>], vector<16xf32>,
          %add3A_703 = arith.constant 272 : i32
          %add3A_704 = vector.broadcast %add3A_703 : i32 to vector<16xi32>
          %add3A_705 = arith.addi %iota3A, %add3A_704 : vector<16xi32>
          tpu.vector_store_idx %arg13[%add3A_705, %and3A_556], %gather3A_675 : memref<400x64xf32, #tpu.memory_space<vmem>>[vector<16xi32>, vector<16xi32>], vector<16xf32>,
          %add3A_706 = arith.constant 288 : i32
          %add3A_707 = vector.broadcast %add3A_706 : i32 to vector<16xi32>
          %add3A_708 = arith.addi %iota3A, %add3A_707 : vector<16xi32>
          tpu.vector_store_idx %arg13[%add3A_708, %and3A_556], %gather3A_679 : memref<400x64xf32, #tpu.memory_space<vmem>>[vector<16xi32>, vector<16xi32>], vector<16xf32>,
          %add3A_709 = arith.constant 304 : i32
          %add3A_710 = vector.broadcast %add3A_709 : i32 to vector<16xi32>
          %add3A_711 = arith.addi %iota3A, %add3A_710 : vector<16xi32>
          tpu.vector_store_idx %arg13[%add3A_711, %and3A_556], %gather3A_683 : memref<400x64xf32, #tpu.memory_space<vmem>>[vector<16xi32>, vector<16xi32>], vector<16xf32>,
          %add3A_712 = arith.constant 320 : i32
          %add3A_713 = vector.broadcast %add3A_712 : i32 to vector<16xi32>
          %add3A_714 = arith.addi %iota3A, %add3A_713 : vector<16xi32>
          tpu.vector_store_idx %arg13[%add3A_714, %and3A_556], %gather3A_687 : memref<400x64xf32, #tpu.memory_space<vmem>>[vector<16xi32>, vector<16xi32>], vector<16xf32>,
          %add3A_715 = arith.constant 336 : i32
          %add3A_716 = vector.broadcast %add3A_715 : i32 to vector<16xi32>
          %add3A_717 = arith.addi %iota3A, %add3A_716 : vector<16xi32>
          tpu.vector_store_idx %arg13[%add3A_717, %and3A_556], %gather3A_691 : memref<400x64xf32, #tpu.memory_space<vmem>>[vector<16xi32>, vector<16xi32>], vector<16xf32>,
          %add3A_718 = arith.constant 352 : i32
          %add3A_719 = vector.broadcast %add3A_718 : i32 to vector<16xi32>
          %add3A_720 = arith.addi %iota3A, %add3A_719 : vector<16xi32>
          tpu.vector_store_idx %arg13[%add3A_720, %and3A_556], %gather3A_695 : memref<400x64xf32, #tpu.memory_space<vmem>>[vector<16xi32>, vector<16xi32>], vector<16xf32>,
          %add3A_721 = arith.constant 368 : i32
          %add3A_722 = vector.broadcast %add3A_721 : i32 to vector<16xi32>
          %add3A_723 = arith.addi %iota3A, %add3A_722 : vector<16xi32>
          tpu.vector_store_idx %arg13[%add3A_723, %and3A_556], %gather3A_699 : memref<400x64xf32, #tpu.memory_space<vmem>>[vector<16xi32>, vector<16xi32>], vector<16xf32>,
          %get3A_724 = arith.constant 384 : index
          %get3A_725 = tpu.vector_load %arg11[%get3A_724] {strides = array<i32>} : memref<400xi32, #tpu.memory_space<vmem>>, vector<16xi32>,
          %add3A_726 = arith.addi %get3A_725, %and3A_556 : vector<16xi32>
          %gather3A_727 = tpu.vector_load_idx %arg10[%add3A_726] : memref<1152xf32, #tpu.memory_space<vmem>>[vector<16xi32>], vector<16xf32>,
          %add3A_728 = arith.constant 384 : i32
          %add3A_729 = vector.broadcast %add3A_728 : i32 to vector<16xi32>
          %add3A_730 = arith.addi %iota3A, %add3A_729 : vector<16xi32>
          tpu.vector_store_idx %arg13[%add3A_730, %and3A_556], %gather3A_727 : memref<400x64xf32, #tpu.memory_space<vmem>>[vector<16xi32>, vector<16xi32>], vector<16xf32>,
        }
        %scan3A_548 = arith.constant 64 : i32
        %dma_start3A = arith.constant 0 : i32
        %dma_start3A_549 = tpu.memref_slice %arg5[%multiple_of3A, %dma_start3A] : memref<800000x64xf32, #tpu.memory_space<hbm>> -> memref<400x64xf32, #tpu.memory_space<hbm>>
        %dma_start3A_550 = arith.constant 0 : i32
        %dma_start3A_551 = tpu.memref_slice %arg5[%multiple_of3A, %dma_start3A_550] : memref<800000x64xf32, #tpu.memory_space<hbm>> -> memref<400x64xf32, #tpu.memory_space<hbm>>
        tpu.enqueue_dma source(%arg13 : memref<400x64xf32, #tpu.memory_space<vmem>>) target(%dma_start3A_551 : memref<400x64xf32, #tpu.memory_space<hbm>>) target_semaphore(%arg17 : memref<!tpu.dma_semaphore, #tpu.memory_space<semaphore_mem>>)
      } else {
      }
    }
    %scan3A_9 = arith.constant 32 : i32
    %dma_wait3A = arith.constant 0 : i32
    %dma_wait3A_10 = arith.constant 0 : i32
    %dma_wait3A_11 = tpu.memref_slice %arg5[%dma_wait3A, %dma_wait3A_10] : memref<800000x64xf32, #tpu.memory_space<hbm>> -> memref<400x64xf32, #tpu.memory_space<hbm>>
    %dma_wait3A_12 = arith.constant 0 : i32
    %dma_wait3A_13 = arith.constant 0 : i32
    %dma_wait3A_14 = tpu.memref_slice %arg5[%dma_wait3A_12, %dma_wait3A_13] : memref<800000x64xf32, #tpu.memory_space<hbm>> -> memref<400x64xf32, #tpu.memory_space<hbm>>
    tpu.wait_dma2 semaphore(%arg16 : memref<!tpu.dma_semaphore, #tpu.memory_space<semaphore_mem>>) src(%dma_wait3A_14 : memref<400x64xf32, #tpu.memory_space<hbm>>) dst(%arg12 : memref<400x64xf32, #tpu.memory_space<vmem>>)
    %dma_wait3A_15 = arith.constant 0 : i32
    %dma_wait3A_16 = arith.constant 0 : i32
    %dma_wait3A_17 = tpu.memref_slice %arg5[%dma_wait3A_15, %dma_wait3A_16] : memref<800000x64xf32, #tpu.memory_space<hbm>> -> memref<400x64xf32, #tpu.memory_space<hbm>>
    %dma_wait3A_18 = arith.constant 0 : i32
    %dma_wait3A_19 = arith.constant 0 : i32
    %dma_wait3A_20 = tpu.memref_slice %arg5[%dma_wait3A_18, %dma_wait3A_19] : memref<800000x64xf32, #tpu.memory_space<hbm>> -> memref<400x64xf32, #tpu.memory_space<hbm>>
    tpu.wait_dma2 semaphore(%arg17 : memref<!tpu.dma_semaphore, #tpu.memory_space<semaphore_mem>>) src(%dma_wait3A_20 : memref<400x64xf32, #tpu.memory_space<hbm>>) dst(%arg13 : memref<400x64xf32, #tpu.memory_space<vmem>>)
    return
  }
}

</mosaic_0001>

<sc_bundles>
// kernel: _encode.3.cloned.1.call-start
scs
__scs_entry_jumppad:
0x0: {  	(pc) =	sbr.rel $0x88, $3  }
0x1: {  	(tag) =	ssettag $0x0;
	lr =	simm.s32 $0x1  }
0x2: {  	[smem:$0x3F9E] =	sst lr;
	_ =	strace $0xD0000000  }
0x3: {  	_ = 	snop  }
0x4: {  	_ = 	snop  }
0x5: {  	_ = 	snop  }
0x6: {  	_ = 	snop  }
0x7: {  	_ = 	snop  }
__scs_overlays_trampoline_lowered:
0x8: {  	[smem:$0x3FAD] =	sst s0  }
0x9: {  	[smem:$0x3FAE] =	sst s1  }
0xa: {  	[smem:$0x3FAF] =	sst s2  }
0xb: {  	[smem:$0x3FB0] =	sst s3  }
0xc: {  	[smem:$0x3FB1] =	sst s4  }
0xd: {  	[smem:$0x3FB2] =	sst s5  }
0xe: {  	[smem:$0x3FB3] =	sst s6  }
0xf: {  	[smem:$0x3FB4] =	sst s7  }
0x10: {  	[smem:$0x3FB5] =	sst s8  }
0x11: {  	[smem:$0x3FB6] =	sst s9;
	s0 =	simm.s32 @!p0 $0x0  }
0x12: {  	s1 =	sld [smem:$0x3F9C];
	s0 =	simm.s32 @p0 $0x1  }
0x13: {  	[smem:$0x3FB7] =	sst s0;
	s0 =	simm.s32 @!p1 $0x0  }
0x14: {  	s2 =	sld [smem:$0x3F9B];
	s0 =	simm.s32 @p1 $0x1  }
0x15: {  	[smem:$0x3FB8] =	sst s0;
	s0 =	simm.s32 @!p2 $0x0  }
0x16: {  	s3 =	sld [smem:$0x3FDB];
	s0 =	simm.s32 @p2 $0x1  }
0x17: {  	s4 =	simm.s32 $0x1BF5;
	[smem:$0x3FBA] =	sst s0  }
0x18: {  	s0 =	sld [smem:$0x3F9D];
	_ =	swait.ge [sflag:s4], $0x0  }
0x19: {  	s7 =	sld [smem:$0x3F9E]  }
0x1a: {  	s8 =	sadd.s32 $0xFFFFE003, lr  }
0x1b: {  	s9 =	sadd.s32 $0xFFFFFEF7, lr;
	s5 =	simm.s32 $0xFFFFFFFF;
	p2 =	slt.u32 s8, $0xFFFFF086  }
0x1c: {  	p1 =	slt.u32 s9, $0xF7A;
	s5 =	simm.s32 @!p2 $0x0  }
0x1d: {  	s5 =	simm.s32 @p1 $0x1;
	p0 =	seq.s32 s7, s2  }
0x1e: {  	s7 =	smul.u32 @!p0 $0xF7A, s2;
	p2 =	seq.s32 @!p0 s5, $0x0  }
0x1f: {  	s9 =	smul.u32 $0xF7A, s1;
	s8 =	simm.s32 @!p0 $0x1BF5;
	p2 =	por !p2, p0  }
0x20: {  	[sflag:s8] =	ssyncset.s32 @!p0 $0xFFFFF086;
	s6 =	sadd.s32 @!p0 s3, s7;
	s7 =	simm.s32 @!p0 $0x108  }
0x21: {  	s3 =	sadd.s32 s3, s9;
	s6 =	sadd.s32 @!p0 $0x88, s6;
	s7 =	simm.s32 @p2 $0x1082  }
0x22: {  	[simem:s7], [sflag:s8] =	dma.local @!p0 [hbm:s6], $0xF7A  }
0x23: {  	s9 =	sor.u32 $0xD0000000, s2;
	s6 =	simm.s32 $0x108;
	_ =	swait.ge @!p0 [sflag:s8], $0x0  }
0x24: {  	s3 =	sadd.s32 $0x88, s3;
	s6 =	simm.s32 @!p1 $0x1082;
	[sflag:s4] =	ssyncset.s32 $0xFFFFF086  }
0x25: {  	[simem:s6], [sflag:s4] =	dma.local [hbm:s3], $0xF7A  }
0x26: {  	[smem:$0x3F9E] =	sst s1;
	(tag) =	ssettag s2;
	_ =	strace s9  }
0x27: {  	s1 =	sld [smem:$0x3FAE]  }
0x28: {  	s2 =	sld [smem:$0x3FAF]  }
0x29: {  	s4 =	sld [smem:$0x3FB1]  }
0x2a: {  	p0 =	seq.s32 s5, $0x0;
	s5 =	sld [smem:$0x3FB2]  }
0x2b: {  	s6 =	sld [smem:$0x3FB3]  }
0x2c: {  	s7 =	sld [smem:$0x3FB4]  }
0x2d: {  	s3 =	simm.s32 $0x108;
	s8 =	sld [smem:$0x3FB5]  }
0x2e: {  	s3 =	simm.s32 @!p0 $0x1082;
	s9 =	sld [smem:$0x3FB6]  }
0x2f: {  	lr =	sadd.s32 s0, s3;
	s0 =	sld [smem:$0x3FAD]  }
0x30: {  	s3 =	sld [smem:$0x3FB0]  }
0x31: {  	[smem:$0x3FB9] =	sst s10  }
0x32: {  	s10 =	sld [smem:$0x3FB7];
	_ =	sdelay $0x3  }
0x33: {  	p0 =	seq.s32 s10, $0x1;
	s10 =	sld [smem:$0x3FB9];
	_ =	sdelay $0x3  }
0x34: {  	[smem:$0x3FB9] =	sst s10  }
0x35: {  	s10 =	sld [smem:$0x3FB8];
	_ =	sdelay $0x3  }
0x36: {  	p1 =	seq.s32 s10, $0x1;
	s10 =	sld [smem:$0x3FB9];
	_ =	sdelay $0x3  }
0x37: {  	[smem:$0x3FB9] =	sst s10  }
0x38: {  	s10 =	sld [smem:$0x3FBA]  }
0x39: {  	_ = 	snop;
	(pc) =	sbr.ind lr, $3  }
0x3a: {  	_ = 	snop  }
0x3b: {  	_ = 	snop  }
0x3c: {  	p2 =	seq.s32 s10, $0x1;
	s10 =	sld [smem:$0x3FB9]  }
0x3d: {  	_ =	shalt  }
0x3e: {  	_ =	shalt  }
0x3f: {  	_ =	shalt  }
0x40: {  	_ =	shalt  }
0x41: {  	_ =	shalt  }
0x42: {  	_ =	shalt  }
0x43: {  	_ =	shalt  }
0x44: {  	_ =	shalt  }
0x45: {  	_ =	shalt  }
0x46: {  	_ =	shalt  }
0x47: {  	_ =	shalt  }
0x48: {  	_ =	shalt  }
0x49: {  	_ =	shalt  }
0x4a: {  	_ =	shalt  }
0x4b: {  	_ =	shalt  }
0x4c: {  	_ =	shalt  }
0x4d: {  	_ =	shalt  }
0x4e: {  	_ =	shalt  }
0x4f: {  	_ =	shalt  }
0x50: {  	_ =	shalt  }
0x51: {  	_ =	shalt  }
0x52: {  	_ =	shalt  }
0x53: {  	_ =	shalt  }
0x54: {  	_ =	shalt  }
0x55: {  	_ =	shalt  }
0x56: {  	_ =	shalt  }
0x57: {  	_ =	shalt  }
0x58: {  	_ =	shalt  }
0x59: {  	_ =	shalt  }
0x5a: {  	_ =	shalt  }
0x5b: {  	_ =	shalt  }
0x5c: {  	_ =	shalt  }
0x5d: {  	_ =	shalt  }
0x5e: {  	_ =	shalt  }
0x5f: {  	_ =	shalt  }
0x60: {  	_ =	shalt  }
0x61: {  	_ =	shalt  }
0x62: {  	_ =	shalt  }
0x63: {  	_ =	shalt  }
0x64: {  	_ =	shalt  }
0x65: {  	_ =	shalt  }
0x66: {  	_ =	shalt  }
0x67: {  	_ =	shalt  }
0x68: {  	_ =	shalt  }
0x69: {  	_ =	shalt  }
0x6a: {  	_ =	shalt  }
0x6b: {  	_ =	shalt  }
0x6c: {  	_ =	shalt  }
0x6d: {  	_ =	shalt  }
0x6e: {  	_ =	shalt  }
0x6f: {  	_ =	shalt  }
0x70: {  	_ =	shalt  }
0x71: {  	_ =	shalt  }
0x72: {  	_ =	shalt  }
0x73: {  	_ =	shalt  }
0x74: {  	_ =	shalt  }
0x75: {  	_ =	shalt  }
0x76: {  	_ =	shalt  }
0x77: {  	_ =	shalt  }
0x78: {  	_ =	shalt  }
0x79: {  	_ =	shalt  }
0x7a: {  	_ =	shalt  }
0x7b: {  	_ =	shalt  }
0x7c: {  	_ =	shalt  }
0x7d: {  	_ =	shalt  }
0x7e: {  	_ =	shalt  }
0x7f: {  	_ =	shalt  }
0x80: {  	_ =	shalt  }
0x81: {  	_ =	shalt  }
0x82: {  	_ =	shalt  }
0x83: {  	_ =	shalt  }
0x84: {  	_ =	shalt  }
0x85: {  	_ =	shalt  }
0x86: {  	_ =	shalt  }
0x87: {  	_ =	shalt  }
.Lfunc_end0:
.L_simem_size_0:
called_computation_lowered:
.L_overlay_start_0:
0x88: {  	s2 =	sld [smem:$0x3FD9]  }
0x89: {  	s3 =	sld [smem:$0x3FFE];
	_ =	sdelay $0x1  }
0x8a: {  	s1 =	srdreg.scid  }
0x8b: {  	s0 =	sand.u32 $0x1, s1  }
0x8c: {  	s17 =	sshll.u32 s0, $0xA;
	s2 =	sadd.s32 s3, s2  }
0x8d: {  	s2 =	sadd.s32 s2, s17  }
0x8e: {  	[smem:$0x3FC5] =	sst s2  }
0x8f: {  	_ = 	snop  }
0x90: {  	s2 =	sld [smem:$0x3FC9]  }
0x91: {  	s18 =	sld [smem:$0x3FC8]  }
0x92: {  	s4 =	sld [smem:$0x3FC7];
	(tm) =	ssettm $0x1  }
0x93: {  	s5 =	sld [smem:$0x3FFB];
	_ =	sdelay $0x3  }
0x94: {  	_ =	strace s5  }
0x95: {  	s5 =	sld [smem:$0x3FFC];
	_ =	sdelay $0x3  }
0x96: {  	_ =	strace s5  }
0x97: {  	s5 =	sld [smem:$0x3FFD];
	_ =	sdelay $0x3  }
0x98: {  	_ =	strace s5  }
0x99: {  	_ =	strace $0x8FFFFFFF  }
0x9a: {  	s19 =	sld [smem:$0x3FDB];
	_ =	sdelay $0x1  }
0x9b: {  	s6 =	simm.s32 $_scs_section_size  }
0x9c: {  	s7 =	simm.s32 $_size__tile_overlayer_lowered;
	s8 =	simm.s32 $_tile_overlayer_lowered  }
0x9d: {  	s22 =	simm.s32 $0x1BFF;
	s21 =	sshll.u32 s8, $0x1;
	s5 =	sadd.s32 s6, s19  }
0x9e: {  	s9 =	simm.s32 $0x0;
	s20 =	sshll.u32 s7, $0x1;
	s7 =	sadd.s32 s21, s5  }
0x9f: {  	[timem:s9], [sflag:s22] =	dma.local [hbm:s7], s20  }
0xa0: {  	_ =	swait.ge [sflag:s22], s20  }
0xa1: {  	s6 =	ssub.s32 $0x0, s20;
	[sflag:s22] =	ssyncset.done $0x0  }
0xa2: {  	[sflag:s22] =	ssyncadd.s32 s6;
	_ =	sdelay $0x1  }
0xa3: {  	s23 =	simm.s32 $0x1B8B  }
0xa4: {  	_ =	swait.ge [sflag:s23], $0x1  }
0xa5: {  	[sflag:s23] =	ssyncset.done $0x0  }
0xa6: {  	s25 =	simm.s32 $0x1B8E;
	s24 =	sld [smem:$0x3FFE];
	[sflag:s23] =	ssyncadd.s32 $0xFFFFFFFF  }
0xa7: {  	s26 =	simm.s32 $execute0_lowered;
	[smem:$0x3FD2] =	sst s25  }
0xa8: {  	s7 =	sshll.u32 s26, $0x1;
	_ =	strace $0x80000046;
	[dreg:$0x1] =	wrdreg $0xFFFFFFFF  }
0xa9: {  	s28 =	simm.s32 $_size_execute0_lowered;
	s5 =	sadd.s32 s5, s7;
	[dreg:$0x0] =	wrdreg $0x0  }
0xaa: {  	s7 =	sshll.u32 s28, $0x1;
	[dreg:$0x2] =	wrdreg s5  }
0xab: {  	[dreg:$0x3] =	wrdreg s7  }
0xac: {  	[dreg:$0x4] =	wrdreg $0xC0  }
0xad: {  	_ =	task [dreg:s9], $0x5FFFF  }
0xae: {  	[dreg:$0x1] =	wrdreg $0xFFFFFFFF  }
0xaf: {  	[dreg:$0x0] =	wrdreg $0x60  }
0xb0: {  	[dreg:$0x2] =	wrdreg s2  }
0xb1: {  	[dreg:$0x3] =	wrdreg s18  }
0xb2: {  	[dreg:$0x4] =	wrdreg s4  }
0xb3: {  	[dreg:$0x5] =	wrdreg s24  }
0xb4: {  	[dreg:$0x6] =	wrdreg $0x9  }
0xb5: {  	_ =	task.clear_ibuf [dreg:s9], $0x7FFFF;
	_ =	strace $0x90000046  }
0xb6: {  	s29 =	simm.s32 $0x9;
	_ =	strace $0x80000048  }
0xb7: {  	_ =	swait.ge [sflag:s29], $0x1  }
0xb8: {  	[sflag:s29] =	ssyncadd.s32 $0xFFFFFFFF  }
0xb9: {  	_ =	strace $0x90000048  }
0xba: {  	_ =	sfence  }
0xbb: {  	s30 =	sld [smem:$0x0];
	_ =	sdelay $0x2  }
0xbc: {  	s31 =	sshll.u32 s1, $0xD;
	s1 =	sshrl.u32 s1, $0x2  }
0xbd: {  	s3 =	sand.u32 $0x4000, s31;
	s1 =	sadd.s32 s1, s30  }
0xbe: {  	s0 =	sor.u32 s3, s0;
	s1 =	sshll.u32 s1, $0x11  }
0xbf: {  	s0 =	sor.u32 s1, s0  }
0xc0: {  	s0 =	sadd.s32 $0x8F2B, s0  }
0xc1: {  	[sflag:s0] =	ssyncadd.remote.s32 $0x1  }
0xc2: {  	_ =	sfence.sel $0xFFFF  }
0xc3: {  	[dreg:$0x0] =	wrdreg $0xFFFFFFFF;
	(pc) =	sbr.abs _section_cstart, $3  }
0xc4: {  	[dreg:$0x1] =	wrdreg $0xFFFFFFFF  }
0xc5: {  	_ =	task.clear_ibuf [dreg:s9], $0x2FFFF;
	_ =	strace $0x9FFFFFFF  }
0xc6: {  	(tm) =	ssettm $0x7FFFFFFF  }
0xc7: {  	_ =	shalt  }
tec
execute0_lowered:
.L_overlay_start_1:
0x0: {  	(tag) =	ssettag $0x1  }
0x1: {  	s0 =	rddreg [dreg:$0x0]  }
0x2: {  	s2 =	rddreg [dreg:$0x1]  }
0x3: {  	s3 =	rddreg [dreg:$0x2];
	v0 =	vlaneseq.u32;
	s4 =	srdreg.scid  }
0x4: {  	s1 =	stileid.u32;
	s7 =	rddreg [dreg:$0x3];
	v1 =	vmul.u32 $0x80, v0  }
0x5: {  	s5 =	simm.s32 $0x0;
	s12 =	simm.s32 $0x800;
	s13 =	simm.s32 $0x5  }
0x6: {  	s14 =	simm.s32 $0x400;
	s15 =	simm.s32 $0x1;
	s16 =	simm.s32 $0xE80;
	v2 =	vor.u32 $0x800, v1;
	v3 =	vor.u32 $0x1000, v1;
	v4 =	vor.u32 $0x1800, v1  }
0x7: {  	s17 =	simm.s32 $0x2;
	s18 =	simm.s32 $0xD680;
	s19 =	simm.s32 $0x3;
	v5 =	vor.u32 $0x2000, v1;
	v6 =	vor.u32 $0x2800, v1;
	v7 =	vor.u32 $0x3000, v1  }
0x8: {  	s20 =	simm.s32 $0x4;
	s21 =	simm.s32 $0x0;
	s8 =	sand.u32 $0x1, s4;
	v8 =	vor.u32 $0x3800, v1;
	v9 =	vor.u32 $0x4000, v1;
	v10 =	vor.u32 $0x4800, v1  }
.Ltmp0:
0x9: {  	s6 =	sshll.u32 s1, $0x1;
	s4 =	rddreg [dreg:$0x4];
	v11 =	vor.u32 $0x5000, v1;
	v12 =	vor.u32 $0x5800, v1;
	v13 =	vor.u32 $0x6000, v1;
	(pc) =	sbr.rel .LBB2_1-.Ltmp0, $4  }
0xa: {  	[smem:$0x7FF] =	sst s5;
	s6 =	sor.u32 s8, s6;
	s8 =	ssub.s32 $0x2, s8;
	v14 =	vor.u32 $0x6800, v1;
	v15 =	vor.u32 $0x7000, v1;
	v16 =	vor.u32 $0x7800, v1  }
0xb: {  	s7 =	sadd.s32 $0x400, s7;
	s9 =	smul.u32 $0x32, s6;
	s10 =	sshrl.u32 s8, $0x1;
	v17 =	vor.u32 $0x8000, v1;
	v18 =	vor.u32 $0x8800, v1;
	v19 =	vor.u32 $0x9000, v1  }
0xc: {  	_ =	strace $0x80000047;
	v20 =	vor.u32 $0x9800, v1;
	v21 =	vor.u32 $0xA000, v1;
	v22 =	vor.u32 $0xA800, v1;
	s11 =	ssub.s32 s8, s10;
	s10 =	sor.u32 $0x40, s6  }
0xd: {  	v23 =	vor.u32 $0xB000, v1;
	v24 =	vor.u32 $0xB800, v1;
	v25 =	vor.u32 $0xC000, v1;
	s8 =	sadd.s32 s0, s9;
	s9 =	sadd.s32 s2, s9;
	s11 =	smax.u32 s11, $0x1  }
.LBB2_10:
0xe: {  	s21 =	sadd.s32 $0x1, s21  }
0xf: {  	_ =	swait.ge [sflag:s19], $0xC800;
	p0 =	sne.s32 s21, s11  }
.Ltmp1:
0x10: {  	[sflag:s19] =	ssyncset.done $0x0;
	(pc) =	sbr.rel @!p0 .LBB2_11-.Ltmp1, $4  }
0x11: {  	[sflag:s19] =	ssyncadd.s32 $0xFFFF3800  }
0x12: {  	_ =	swait.ge [sflag:s20], $0xC800  }
0x13: {  	[sflag:s20] =	ssyncset.done $0x0  }
0x14: {  	[sflag:s20] =	ssyncadd.s32 $0xFFFF3800  }
.LBB2_1:
0x15: {  	[tilespmem:s12], [sflag:$0x5] =	stream.linear.gather [hbm4b:s3+s5], $0x480, $0x38;
	[tilespmem:$0x19E80] =	vst v63  }
0x16: {  	_ =	swait.ge [sflag:s13], $0x480  }
.Ltmp2:
0x17: {  	[sflag:s13] =	ssyncset.done $0x0;
	(pc) =	sbr.rel .LBB2_2-.Ltmp2, $4  }
0x18: {  	[sflag:s13] =	ssyncadd.s32 $0xFFFFFB80  }
0x19: {  	[tilespmem:s5], [sflag:$0x1] =	stream.linear.gather [hbm4b:s8+s5], $0x190, $0x38;
	[tilespmem:$0x19E80] =	vst v63  }
0x1a: {  	s22 =	simm.s32 $0x0  }
0x1b: {  	[tilespmem:s14], [sflag:$0x1] =	stream.linear.gather [hbm4b:s9+s5], $0x190, $0x38;
	[tilespmem:$0x19E80] =	vst v63  }
.LBB2_9:
0x1c: {  	s22 =	sadd.s32 $0x1, s22  }
0x1d: {  	p0 =	sne.s32 s22, $0x20  }
.Ltmp3:
0x1e: {  	_ = 	snop;
	(pc) =	sbr.rel @!p0 .LBB2_10-.Ltmp3, $1  }
0x1f: {  	_ =	sdelay $0x3  }
.LBB2_2:
0x20: {  	s24 =	sshll.u32 s22, $0x6  }
0x21: {  	s25 =	sor.u32 s6, s24  }
0x22: {  	p0 =	sgt.u32 s25, $0x7CF  }
.Ltmp4:
0x23: {  	_ = 	snop;
	(pc) =	sbr.rel @p0 .LBB2_9-.Ltmp4, $1  }
0x24: {  	_ =	sdelay $0x3  }
0x25: {  	_ =	swait.ge [sflag:s15], $0x190  }
0x26: {  	s23 =	sor.u32 $0x20, s25;
	[sflag:s15] =	ssyncset.done $0x0  }
0x27: {  	p1 =	sgt.u32 s23, $0x7CF;
	[sflag:s15] =	ssyncadd.s32 $0xFFFFFE70  }
0x28: {  	s26 =	smul.u32 @!p1 $0x32, s23;
	_ =	swait.ge [sflag:s15], $0x190  }
0x29: {  	s29 =	simm.s32 @!p1 $0x0;
	[sflag:s15] =	ssyncset.done $0x0  }
0x2a: {  	s30 =	simm.s32 @!p1 $0x200;
	s28 =	sadd.s32 @!p1 s0, s26;
	[sflag:s15] =	ssyncadd.s32 $0xFFFFFE70  }
0x2b: {  	[tilespmem:s30], [sflag:$0x2] =	stream.linear.gather @!p1 [hbm4b:s28+s29], $0x190, $0x38;
	[tilespmem:$0x19E80] =	vst v63  }
0x2c: {  	p0 =	seq.s32 s22, $0x0;
	s26 =	sadd.s32 @!p1 s2, s26;
	s28 =	simm.s32 @!p1 $0x600  }
0x2d: {  	[tilespmem:s28], [sflag:$0x2] =	stream.linear.gather @!p1 [hbm4b:s26+s29], $0x190, $0x38;
	[tilespmem:$0x19E80] =	vst v63  }
0x2e: {  	s26 =	simm.s32 @!p0 $0x3  }
0x2f: {  	_ =	swait.ge @!p0 [sflag:s26], $0xC800  }
0x30: {  	[sflag:s26] =	ssyncset.done @!p0 $0x0  }
0x31: {  	[sflag:s26] =	ssyncadd.s32 @!p0 $0xFFFF3800  }
0x32: {  	v26 =	vld [tilespmem:$0x0]  }
0x33: {  	v27 =	vld [tilespmem:$0x400]  }
0x34: {  	v28 =	vld [tilespmem:$0x10]  }
0x35: {  	v29 =	vld [tilespmem:$0x410]  }
0x36: {  	v30 =	vld [tilespmem:$0x20]  }
0x37: {  	v31 =	vld [tilespmem:$0x420]  }
0x38: {  	v32 =	vld [tilespmem:$0x30]  }
0x39: {  	v33 =	vld [tilespmem:$0x430]  }
0x3a: {  	v34 =	vld [tilespmem:$0x40]  }
0x3b: {  	v35 =	vld [tilespmem:$0x440]  }
0x3c: {  	v36 =	vld [tilespmem:$0x50]  }
0x3d: {  	v37 =	vld [tilespmem:$0x450]  }
0x3e: {  	v38 =	vld [tilespmem:$0x60]  }
0x3f: {  	v39 =	vld [tilespmem:$0x460]  }
0x40: {  	v40 =	vld [tilespmem:$0x70]  }
0x41: {  	v41 =	vld [tilespmem:$0x470]  }
0x42: {  	v42 =	vld [tilespmem:$0x80]  }
0x43: {  	v43 =	vld [tilespmem:$0x480]  }
0x44: {  	v44 =	vld [tilespmem:$0x90]  }
0x45: {  	v45 =	vld [tilespmem:$0x490]  }
0x46: {  	v46 =	vld [tilespmem:$0xA0]  }
0x47: {  	v48 =	vld [tilespmem:$0xB0]  }
0x48: {  	v50 =	vld [tilespmem:$0xC0];
	v26 =	vmul.u32 $0x3, v26;
	v28 =	vmul.u32 $0x3, v28;
	v30 =	vmul.u32 $0x3, v30  }
0x49: {  	v52 =	vld [tilespmem:$0xD0];
	v61 =	vmul.u32 $0x3, v32;
	v62 =	vmul.u32 $0x3, v34;
	v63 =	vmul.u32 $0x3, v36  }
0x4a: {  	v54 =	vld [tilespmem:$0xE0];
	v57 =	vmul.u32 $0x3, v38;
	v58 =	vmul.u32 $0x3, v40;
	v59 =	vmul.u32 $0x3, v42  }
0x4b: {  	v56 =	vld [tilespmem:$0xF0];
	v60 =	vmul.u32 $0x3, v44;
	v26 =	vadd.s32 v27, v26;
	v27 =	vadd.s32 v29, v28  }
0x4c: {  	v30 =	vadd.s32 v31, v30;
	v28 =	vadd.s32 v33, v61;
	v31 =	vadd.s32 v35, v62  }
0x4d: {  	v47 =	vld [tilespmem:$0x4A0];
	v32 =	vadd.s32 v37, v63;
	v33 =	vadd.s32 v39, v57;
	v36 =	vadd.s32 v41, v58  }
0x4e: {  	v49 =	vld [tilespmem:$0x4B0];
	v35 =	vadd.s32 v43, v59;
	v61 =	vmul.u32 $0x3, v46;
	v39 =	vadd.s32 v45, v60  }
0x4f: {  	v51 =	vld [tilespmem:$0x4C0];
	v62 =	vmul.u32 $0x3, v48;
	v63 =	vmul.u32 $0x3, v50;
	v57 =	vmul.u32 $0x3, v52  }
0x50: {  	v53 =	vld [tilespmem:$0x4D0];
	v58 =	vmul.u32 $0x3, v54;
	v60 =	vmul.u32 $0x3, v56;
	vm0 =	vgt.s32 v26, $0x0  }
0x51: {  	v55 =	vld [tilespmem:$0x4E0];
	vm4 =	vgt.s32 v27, $0x0;
	vm5 =	vgt.s32 v30, $0x0;
	vm6 =	vgt.s32 v28, $0x0  }
0x52: {  	vm7 =	vgt.s32 v31, $0x0;
	vm8 =	vgt.s32 v32, $0x0;
	vm9 =	vgt.s32 v33, $0x0  }
0x53: {  	v34 =	vld [tilespmem:$0x100];
	vm10 =	vgt.s32 v36, $0x0;
	vm11 =	vgt.s32 v35, $0x0;
	vm12 =	vgt.s32 v39, $0x0  }
0x54: {  	v42 =	vld [tilespmem:$0x120];
	v26 =	vnsel vm0, $0x0, v26;
	v41 =	vadd.s32 v47, v61;
	v27 =	vnsel vm4, $0x0, v27  }
0x55: {  	v38 =	vld [tilespmem:$0x500];
	v43 =	vadd.s32 v49, v62;
	v45 =	vadd.s32 v51, v63;
	v30 =	vnsel vm5, $0x0, v30  }
0x56: {  	v40 =	vld [tilespmem:$0x510];
	v47 =	vadd.s32 v53, v57;
	v49 =	vadd.s32 v55, v58;
	v28 =	vnsel vm6, $0x0, v28  }
0x57: {  	v44 =	vld [tilespmem:$0x520];
	v31 =	vnsel vm7, $0x0, v31;
	v32 =	vnsel vm8, $0x0, v32;
	v33 =	vnsel vm9, $0x0, v33  }
0x58: {  	v29 =	vld [tilespmem:$0x4F0];
	v36 =	vnsel vm10, $0x0, v36;
	v35 =	vnsel vm11, $0x0, v35;
	v39 =	vnsel vm12, $0x0, v39  }
0x59: {  	v37 =	vld [tilespmem:$0x110];
	v34 =	vmul.u32 $0x3, v34;
	v62 =	vmul.u32 $0x3, v42;
	vm13 =	vgt.s32 v41, $0x0  }
0x5a: {  	v46 =	vld [tilespmem:$0x130];
	vm14 =	vgt.s32 v43, $0x0;
	vm15 =	vgt.s32 v45, $0x0;
	v26 =	vmin.u32 v26, $0x11  }
0x5b: {  	v59 =	vld [tilespmem:$0x140];
	v27 =	vmin.u32 v27, $0x11;
	v30 =	vmin.u32 v30, $0x11;
	v28 =	vmin.u32 v28, $0x11  }
0x5c: {  	v48 =	vld [tilespmem:$0x530];
	v55 =	vmin.u32 v31, $0x11;
	vm4 =	vgt.s32 v47, $0x0;
	vm5 =	vgt.s32 v49, $0x0  }
0x5d: {  	v52 =	vld [tilespmem:$0x540];
	v41 =	vnsel vm13, $0x0, v41;
	v43 =	vnsel vm14, $0x0, v43;
	v45 =	vnsel vm15, $0x0, v45  }
0x5e: {  	v61 =	vld [tilespmem:$0x150];
	v26 =	vshll.u32 v26, $0x6;
	v27 =	vshll.u32 v27, $0x6;
	v47 =	vnsel vm4, $0x0, v47  }
0x5f: {  	v51 =	vld [tilespmem:$0x160];
	v29 =	vadd.s32 v29, v60;
	v37 =	vmul.u32 $0x3, v37;
	v34 =	vadd.s32 v38, v34  }
0x60: {  	v56 =	vmul.u32 $0x3, v46;
	v38 =	vadd.s32 v44, v62;
	v58 =	vmul.u32 $0x3, v59;
	[tilespmem:$0xC80] =	vst v26  }
0x61: {  	v63 =	vld [tilespmem:$0x550];
	v26 =	vshll.u32 v30, $0x6;
	[tilespmem:$0xC90] =	vst v27;
	v27 =	vshll.u32 v28, $0x6;
	vm6 =	vgt.s32 v29, $0x0  }
0x62: {  	v57 =	vld [tilespmem:$0x560];
	vm7 =	vgt.s32 v34, $0x0;
	vm9 =	vgt.s32 v38, $0x0;
	v37 =	vadd.s32 v40, v37  }
0x63: {  	v59 =	vld [tilespmem:$0x170];
	v40 =	vadd.s32 v48, v56;
	v60 =	vmul.u32 $0x3, v61;
	v44 =	vadd.s32 v52, v58  }
0x64: {  	v51 =	vmul.u32 $0x3, v51;
	v56 =	vshll.u32 v55, $0x6;
	v58 =	vmin.u32 v33, $0x11  }
0x65: {  	[tilespmem:$0xCA0] =	vst v26;
	v52 =	vnsel vm5, $0x0, v49;
	v53 =	vnsel vm6, $0x0, v29;
	v55 =	vnsel vm7, $0x0, v34  }
0x66: {  	[tilespmem:$0xCB0] =	vst v27;
	v61 =	vld [tilespmem:$0x180];
	v27 =	vshll.u32 v58, $0x6;
	vm8 =	vgt.s32 v37, $0x0;
	v28 =	vmin.u32 v53, $0x11  }
0x67: {  	v62 =	vld [tilespmem:$0x570];
	[tilespmem:$0xCC0] =	vst v56;
	v42 =	vadd.s32 v63, v60;
	v46 =	vadd.s32 v57, v51;
	v57 =	vmin.u32 v32, $0x11  }
0x68: {  	v63 =	vld [tilespmem:$0x580];
	[tilespmem:$0xCE0] =	vst v27;
	v50 =	vmul.u32 $0x3, v59;
	v26 =	vshll.u32 v57, $0x6;
	v59 =	vmin.u32 v36, $0x11  }
0x69: {  	v36 =	vmin.u32 v41, $0x11;
	v41 =	vmin.u32 v43, $0x11;
	v60 =	vshll.u32 v59, $0x6;
	[tilespmem:$0xCD0] =	vst v26  }
0x6a: {  	vm10 =	vgt.s32 v40, $0x0;
	v43 =	vmin.u32 v45, $0x11;
	v27 =	vshll.u32 v41, $0x6;
	[tilespmem:$0xCF0] =	vst v60  }
0x6b: {  	v45 =	vshll.u32 v43, $0x6;
	v54 =	vmul.u32 $0x3, v61;
	v61 =	vmin.u32 v35, $0x11;
	[tilespmem:$0xD30] =	vst v27  }
0x6c: {  	vm11 =	vgt.s32 v44, $0x0;
	v50 =	vadd.s32 v62, v50;
	[tilespmem:$0xD40] =	vst v45;
	v62 =	vshll.u32 v61, $0x6  }
0x6d: {  	v48 =	vadd.s32 v63, v54;
	v63 =	vmin.u32 v39, $0x11;
	v39 =	vshll.u32 v36, $0x6;
	[tilespmem:$0xD00] =	vst v62  }
0x6e: {  	v51 =	vmin.u32 v47, $0x11;
	v54 =	vmin.u32 v52, $0x11;
	v26 =	vshll.u32 v63, $0x6;
	[tilespmem:$0xD20] =	vst v39  }
0x6f: {  	v56 =	vnsel vm8, $0x0, v37;
	v58 =	vnsel vm10, $0x0, v40;
	v27 =	vshll.u32 v54, $0x6;
	[tilespmem:$0xD10] =	vst v26  }
0x70: {  	v57 =	vnsel vm9, $0x0, v38;
	vm12 =	vgt.s32 v42, $0x0;
	v26 =	vshll.u32 v51, $0x6;
	[tilespmem:$0xD60] =	vst v27  }
0x71: {  	v29 =	vmin.u32 v56, $0x11;
	v27 =	vmin.u32 v55, $0x11;
	[tilespmem:$0xD50] =	vst v26;
	v26 =	vshll.u32 v28, $0x6  }
0x72: {  	vm13 =	vgt.s32 v46, $0x0;
	v59 =	vnsel vm11, $0x0, v44;
	v27 =	vshll.u32 v27, $0x6;
	[tilespmem:$0xD70] =	vst v26  }
0x73: {  	v60 =	vmin.u32 v57, $0x11;
	v28 =	vmin.u32 v58, $0x11;
	[tilespmem:$0xD80] =	vst v27;
	v27 =	vshll.u32 v29, $0x6  }
0x74: {  	v61 =	vmin.u32 v59, $0x11;
	vm14 =	vgt.s32 v50, $0x0;
	v28 =	vshll.u32 v28, $0x6;
	[tilespmem:$0xD90] =	vst v27  }
0x75: {  	v62 =	vnsel vm13, $0x0, v46;
	v26 =	vnsel vm12, $0x0, v42;
	v27 =	vshll.u32 v60, $0x6;
	[tilespmem:$0xDB0] =	vst v28  }
0x76: {  	v63 =	vnsel vm14, $0x0, v50;
	v26 =	vmin.u32 v26, $0x11;
	[tilespmem:$0xDA0] =	vst v27;
	v27 =	vshll.u32 v61, $0x6  }
0x77: {  	vm15 =	vgt.s32 v48, $0x0;
	v26 =	vshll.u32 v26, $0x6;
	[tilespmem:$0xDC0] =	vst v27;
	v27 =	vmin.u32 v62, $0x11  }
0x78: {  	v28 =	vmin.u32 v63, $0x11;
	[tilespmem:$0xDD0] =	vst v26;
	v26 =	vnsel vm15, $0x0, v48;
	v27 =	vshll.u32 v27, $0x6  }
0x79: {  	v26 =	vmin.u32 v26, $0x11;
	[tilespmem:$0xDE0] =	vst v27;
	v27 =	vshll.u32 v28, $0x6  }
0x7a: {  	v26 =	vshll.u32 v26, $0x6;
	[tilespmem:$0xDF0] =	vst v27  }
0x7b: {  	s26 =	simm.s32 $0x0;
	[tilespmem:$0xE00] =	vst v26  }
.LBB2_4:
0x7c: {  	v26 =	vld [tilespmem:$0xC80]  }
0x7d: {  	v27 =	vld [tilespmem:$0xC90]  }
0x7e: {  	v28 =	vld [tilespmem:$0xCA0]  }
0x7f: {  	v29 =	vadd.s32 s26, v0;
	v30 =	vld [tilespmem:$0xCB0]  }
0x80: {  	v31 =	vld [tilespmem:$0xCC0];
	v29 =	vand.u32 $0x3F, v29  }
0x81: {  	v32 =	vld [tilespmem:$0xCD0];
	v26 =	vadd.s32 v29, v26  }
0x82: {  	v33 =	vld [tilespmem:$0xCE0];
	v27 =	vadd.s32 v29, v27  }
0x83: {  	v34 =	vld [tilespmem:$0xCF0];
	v28 =	vadd.s32 v29, v28  }
0x84: {  	v30 =	vadd.s32 v29, v30  }
0x85: {  	v31 =	vadd.s32 v29, v31  }
0x86: {  	v32 =	vadd.s32 v29, v32;
	v26 =	vld.idx.msk [tilespmem:v26+s12+$0x0], $0xffff  }
0x87: {  	v33 =	vadd.s32 v29, v33;
	v27 =	vld.idx.msk [tilespmem:v27+s12+$0x0], $0xffff  }
0x88: {  	v35 =	vor.u32 v1, v29;
	v34 =	vadd.s32 v29, v34;
	v28 =	vld.idx.msk [tilespmem:v28+s12+$0x0], $0xffff  }
0x89: {  	v36 =	vor.u32 v2, v29;
	v30 =	vld.idx.msk [tilespmem:v30+s12+$0x0], $0xffff  }
0x8a: {  	v37 =	vor.u32 v3, v29;
	v31 =	vld.idx.msk [tilespmem:v31+s12+$0x0], $0xffff  }
0x8b: {  	v38 =	vor.u32 v4, v29;
	v32 =	vld.idx.msk [tilespmem:v32+s12+$0x0], $0xffff  }
0x8c: {  	v39 =	vor.u32 v5, v29;
	v33 =	vld.idx.msk [tilespmem:v33+s12+$0x0], $0xffff  }
0x8d: {  	v34 =	vld.idx.msk [tilespmem:v34+s12+$0x0], $0xffff;
	[tilespmem:v35+s16+$0x0] =	vst.idx.msk $0xffff, v26;
	v26 =	vor.u32 v6, v29  }
0x8e: {  	[tilespmem:v36+s16+$0x0] =	vst.idx.msk $0xffff, v27;
	v27 =	vor.u32 v7, v29  }
0x8f: {  	v51 =	vor.u32 v8, v29;
	[tilespmem:v37+s16+$0x0] =	vst.idx.msk $0xffff, v28  }
0x90: {  	[tilespmem:v38+s16+$0x0] =	vst.idx.msk $0xffff, v30  }
0x91: {  	[tilespmem:v39+s16+$0x0] =	vst.idx.msk $0xffff, v31  }
0x92: {  	[tilespmem:v26+s16+$0x0] =	vst.idx.msk $0xffff, v32  }
0x93: {  	[tilespmem:v27+s16+$0x0] =	vst.idx.msk $0xffff, v33  }
0x94: {  	[tilespmem:v51+s16+$0x0] =	vst.idx.msk $0xffff, v34  }
0x95: {  	v26 =	vld [tilespmem:$0xD00]  }
0x96: {  	v27 =	vld [tilespmem:$0xD10]  }
0x97: {  	v28 =	vld [tilespmem:$0xD20]  }
0x98: {  	v30 =	vld [tilespmem:$0xD30]  }
0x99: {  	v31 =	vld [tilespmem:$0xD40]  }
0x9a: {  	v32 =	vld [tilespmem:$0xD50];
	v26 =	vadd.s32 v29, v26  }
0x9b: {  	v33 =	vld [tilespmem:$0xD60];
	v27 =	vadd.s32 v29, v27  }
0x9c: {  	v34 =	vld [tilespmem:$0xD70];
	v28 =	vadd.s32 v29, v28  }
0x9d: {  	v30 =	vadd.s32 v29, v30  }
0x9e: {  	v31 =	vadd.s32 v29, v31  }
0x9f: {  	v32 =	vadd.s32 v29, v32;
	v26 =	vld.idx.msk [tilespmem:v26+s12+$0x0], $0xffff  }
0xa0: {  	v33 =	vadd.s32 v29, v33;
	v27 =	vld.idx.msk [tilespmem:v27+s12+$0x0], $0xffff  }
0xa1: {  	v52 =	vor.u32 v9, v29;
	v34 =	vadd.s32 v29, v34;
	v28 =	vld.idx.msk [tilespmem:v28+s12+$0x0], $0xffff  }
0xa2: {  	v53 =	vor.u32 v10, v29;
	v30 =	vld.idx.msk [tilespmem:v30+s12+$0x0], $0xffff  }
0xa3: {  	v54 =	vor.u32 v11, v29;
	v31 =	vld.idx.msk [tilespmem:v31+s12+$0x0], $0xffff  }
0xa4: {  	v55 =	vor.u32 v12, v29;
	v32 =	vld.idx.msk [tilespmem:v32+s12+$0x0], $0xffff  }
0xa5: {  	v56 =	vor.u32 v13, v29;
	v33 =	vld.idx.msk [tilespmem:v33+s12+$0x0], $0xffff  }
0xa6: {  	v34 =	vld.idx.msk [tilespmem:v34+s12+$0x0], $0xffff;
	[tilespmem:v52+s16+$0x0] =	vst.idx.msk $0xffff, v26;
	v26 =	vor.u32 v14, v29  }
0xa7: {  	[tilespmem:v53+s16+$0x0] =	vst.idx.msk $0xffff, v27;
	v27 =	vor.u32 v15, v29  }
0xa8: {  	v57 =	vor.u32 v16, v29;
	[tilespmem:v54+s16+$0x0] =	vst.idx.msk $0xffff, v28  }
0xa9: {  	[tilespmem:v55+s16+$0x0] =	vst.idx.msk $0xffff, v30  }
0xaa: {  	[tilespmem:v56+s16+$0x0] =	vst.idx.msk $0xffff, v31  }
0xab: {  	[tilespmem:v26+s16+$0x0] =	vst.idx.msk $0xffff, v32  }
0xac: {  	[tilespmem:v27+s16+$0x0] =	vst.idx.msk $0xffff, v33  }
0xad: {  	[tilespmem:v57+s16+$0x0] =	vst.idx.msk $0xffff, v34  }
0xae: {  	v26 =	vld [tilespmem:$0xD80]  }
0xaf: {  	v27 =	vld [tilespmem:$0xD90]  }
0xb0: {  	v28 =	vld [tilespmem:$0xDA0]  }
0xb1: {  	v30 =	vld [tilespmem:$0xDB0]  }
0xb2: {  	v31 =	vld [tilespmem:$0xDC0]  }
0xb3: {  	v32 =	vld [tilespmem:$0xDD0];
	v26 =	vadd.s32 v29, v26  }
0xb4: {  	v33 =	vld [tilespmem:$0xDE0];
	v27 =	vadd.s32 v29, v27  }
0xb5: {  	v34 =	vld [tilespmem:$0xDF0];
	v28 =	vadd.s32 v29, v28  }
0xb6: {  	v30 =	vadd.s32 v29, v30  }
0xb7: {  	v31 =	vadd.s32 v29, v31  }
0xb8: {  	v32 =	vadd.s32 v29, v32;
	v26 =	vld.idx.msk [tilespmem:v26+s12+$0x0], $0xffff  }
0xb9: {  	v33 =	vadd.s32 v29, v33;
	v27 =	vld.idx.msk [tilespmem:v27+s12+$0x0], $0xffff  }
0xba: {  	v58 =	vor.u32 v17, v29;
	v34 =	vadd.s32 v29, v34;
	v28 =	vld.idx.msk [tilespmem:v28+s12+$0x0], $0xffff  }
0xbb: {  	v59 =	vor.u32 v18, v29;
	v30 =	vld.idx.msk [tilespmem:v30+s12+$0x0], $0xffff  }
0xbc: {  	v60 =	vor.u32 v19, v29;
	v31 =	vld.idx.msk [tilespmem:v31+s12+$0x0], $0xffff  }
0xbd: {  	v61 =	vor.u32 v20, v29;
	v32 =	vld.idx.msk [tilespmem:v32+s12+$0x0], $0xffff  }
0xbe: {  	v62 =	vor.u32 v21, v29;
	v33 =	vld.idx.msk [tilespmem:v33+s12+$0x0], $0xffff  }
0xbf: {  	v34 =	vld.idx.msk [tilespmem:v34+s12+$0x0], $0xffff;
	[tilespmem:v58+s16+$0x0] =	vst.idx.msk $0xffff, v26;
	v26 =	vor.u32 v22, v29  }
0xc0: {  	[tilespmem:v59+s16+$0x0] =	vst.idx.msk $0xffff, v27;
	v27 =	vor.u32 v23, v29  }
0xc1: {  	v63 =	vor.u32 v24, v29;
	[tilespmem:v60+s16+$0x0] =	vst.idx.msk $0xffff, v28  }
0xc2: {  	[tilespmem:v61+s16+$0x0] =	vst.idx.msk $0xffff, v30  }
0xc3: {  	[tilespmem:v62+s16+$0x0] =	vst.idx.msk $0xffff, v31  }
0xc4: {  	[tilespmem:v26+s16+$0x0] =	vst.idx.msk $0xffff, v32  }
0xc5: {  	[tilespmem:v27+s16+$0x0] =	vst.idx.msk $0xffff, v33  }
0xc6: {  	[tilespmem:v63+s16+$0x0] =	vst.idx.msk $0xffff, v34  }
0xc7: {  	v26 =	vld [tilespmem:$0xE00];
	_ =	sdelay $0x4  }
0xc8: {  	v26 =	vadd.s32 v29, v26;
	_ =	sdelay $0x4  }
0xc9: {  	p2 =	sne.s32 s26, $0x3F;
	v27 =	vor.u32 v25, v29;
	v26 =	vld.idx.msk [tilespmem:v26+s12+$0x0], $0xffff  }
.Ltmp5:
0xca: {  	_ = 	snop;
	(pc) =	sbr.rel @p2 .LBB2_4-.Ltmp5, $2  }
0xcb: {  	_ =	sdelay $0x2  }
0xcc: {  	s26 =	sadd.s32 $0x1, s26;
	[tilespmem:v27+s16+$0x0] =	vst.idx.msk $0xffff, v26  }
.Ltmp6:
0xcd: {  	(pc) =	sbr.rel @p1 .LBB2_9-.Ltmp6, $3  }
0xce: {  	s25 =	smul.u32 $0x1900, s25;
	_ =	sdelay $0x1  }
0xcf: {  	s25 =	sadd.s32 s7, s25  }
0xd0: {  	[hbm4b:s25+s5] =	stream.linear.scatter [tilespmem:s16], [sflag:$0x3], $0xC800, $0x38;
	[tilespmem:$0x19E80] =	vst v63  }
0xd1: {  	_ =	swait.ge [sflag:s17], $0x190  }
0xd2: {  	s24 =	sadd.s32 s10, s24;
	[sflag:s17] =	ssyncset.done $0x0  }
0xd3: {  	p1 =	sgt.u32 s24, $0x7CF;
	[sflag:s17] =	ssyncadd.s32 $0xFFFFFE70  }
0xd4: {  	s24 =	smul.u32 @!p1 $0x32, s24;
	_ =	swait.ge [sflag:s17], $0x190  }
0xd5: {  	[sflag:s17] =	ssyncset.done $0x0  }
0xd6: {  	s26 =	simm.s32 @!p1 $0x0;
	s25 =	sadd.s32 @!p1 s0, s24;
	[sflag:s17] =	ssyncadd.s32 $0xFFFFFE70  }
0xd7: {  	[tilespmem:s26], [sflag:$0x1] =	stream.linear.gather @!p1 [hbm4b:s25+s26], $0x190, $0x38;
	[tilespmem:$0x19E80] =	vst v63  }
0xd8: {  	s24 =	sadd.s32 @!p1 s2, s24;
	s25 =	simm.s32 @!p1 $0x400  }
0xd9: {  	[tilespmem:s25], [sflag:$0x1] =	stream.linear.gather @!p1 [hbm4b:s24+s26], $0x190, $0x38;
	[tilespmem:$0x19E80] =	vst v63  }
0xda: {  	s24 =	simm.s32 @!p0 $0x4  }
0xdb: {  	_ =	swait.ge @!p0 [sflag:s24], $0xC800  }
0xdc: {  	[sflag:s24] =	ssyncset.done @!p0 $0x0  }
0xdd: {  	[sflag:s24] =	ssyncadd.s32 @!p0 $0xFFFF3800  }
0xde: {  	v26 =	vld [tilespmem:$0x200]  }
0xdf: {  	v27 =	vld [tilespmem:$0x600]  }
0xe0: {  	v28 =	vld [tilespmem:$0x210]  }
0xe1: {  	v29 =	vld [tilespmem:$0x610]  }
0xe2: {  	v30 =	vld [tilespmem:$0x220]  }
0xe3: {  	v31 =	vld [tilespmem:$0x620]  }
0xe4: {  	v32 =	vld [tilespmem:$0x230]  }
0xe5: {  	v33 =	vld [tilespmem:$0x630]  }
0xe6: {  	v34 =	vld [tilespmem:$0x240]  }
0xe7: {  	v35 =	vld [tilespmem:$0x640]  }
0xe8: {  	v36 =	vld [tilespmem:$0x250]  }
0xe9: {  	v37 =	vld [tilespmem:$0x650]  }
0xea: {  	v38 =	vld [tilespmem:$0x260]  }
0xeb: {  	v39 =	vld [tilespmem:$0x660]  }
0xec: {  	v40 =	vld [tilespmem:$0x270]  }
0xed: {  	v41 =	vld [tilespmem:$0x670]  }
0xee: {  	v42 =	vld [tilespmem:$0x280]  }
0xef: {  	v43 =	vld [tilespmem:$0x680]  }
0xf0: {  	v44 =	vld [tilespmem:$0x290]  }
0xf1: {  	v45 =	vld [tilespmem:$0x690]  }
0xf2: {  	v46 =	vld [tilespmem:$0x2A0]  }
0xf3: {  	v48 =	vld [tilespmem:$0x2B0]  }
0xf4: {  	v50 =	vld [tilespmem:$0x2C0];
	v26 =	vmul.u32 $0x3, v26;
	v28 =	vmul.u32 $0x3, v28;
	v30 =	vmul.u32 $0x3, v30  }
0xf5: {  	v52 =	vld [tilespmem:$0x2D0];
	v61 =	vmul.u32 $0x3, v32;
	v62 =	vmul.u32 $0x3, v34;
	v63 =	vmul.u32 $0x3, v36  }
0xf6: {  	v54 =	vld [tilespmem:$0x2E0];
	v57 =	vmul.u32 $0x3, v38;
	v58 =	vmul.u32 $0x3, v40;
	v59 =	vmul.u32 $0x3, v42  }
0xf7: {  	v56 =	vld [tilespmem:$0x2F0];
	v60 =	vmul.u32 $0x3, v44;
	v26 =	vadd.s32 v27, v26;
	v27 =	vadd.s32 v29, v28  }
0xf8: {  	v30 =	vadd.s32 v31, v30;
	v28 =	vadd.s32 v33, v61;
	v31 =	vadd.s32 v35, v62  }
0xf9: {  	v47 =	vld [tilespmem:$0x6A0];
	v32 =	vadd.s32 v37, v63;
	v33 =	vadd.s32 v39, v57;
	v36 =	vadd.s32 v41, v58  }
0xfa: {  	v49 =	vld [tilespmem:$0x6B0];
	v35 =	vadd.s32 v43, v59;
	v61 =	vmul.u32 $0x3, v46;
	v39 =	vadd.s32 v45, v60  }
0xfb: {  	v51 =	vld [tilespmem:$0x6C0];
	v62 =	vmul.u32 $0x3, v48;
	v63 =	vmul.u32 $0x3, v50;
	v57 =	vmul.u32 $0x3, v52  }
0xfc: {  	v53 =	vld [tilespmem:$0x6D0];
	v58 =	vmul.u32 $0x3, v54;
	v60 =	vmul.u32 $0x3, v56;
	vm0 =	vgt.s32 v26, $0x0  }
0xfd: {  	v55 =	vld [tilespmem:$0x6E0];
	vm4 =	vgt.s32 v27, $0x0;
	vm5 =	vgt.s32 v30, $0x0;
	vm6 =	vgt.s32 v28, $0x0  }
0xfe: {  	vm7 =	vgt.s32 v31, $0x0;
	vm8 =	vgt.s32 v32, $0x0;
	vm9 =	vgt.s32 v33, $0x0  }
0xff: {  	v34 =	vld [tilespmem:$0x300];
	vm10 =	vgt.s32 v36, $0x0;
	vm11 =	vgt.s32 v35, $0x0;
	vm12 =	vgt.s32 v39, $0x0  }
0x100: {  	v42 =	vld [tilespmem:$0x320];
	v26 =	vnsel vm0, $0x0, v26;
	v41 =	vadd.s32 v47, v61;
	v27 =	vnsel vm4, $0x0, v27  }
0x101: {  	v38 =	vld [tilespmem:$0x700];
	v43 =	vadd.s32 v49, v62;
	v45 =	vadd.s32 v51, v63;
	v30 =	vnsel vm5, $0x0, v30  }
0x102: {  	v40 =	vld [tilespmem:$0x710];
	v47 =	vadd.s32 v53, v57;
	v49 =	vadd.s32 v55, v58;
	v28 =	vnsel vm6, $0x0, v28  }
0x103: {  	v44 =	vld [tilespmem:$0x720];
	v31 =	vnsel vm7, $0x0, v31;
	v32 =	vnsel vm8, $0x0, v32;
	v33 =	vnsel vm9, $0x0, v33  }
0x104: {  	v29 =	vld [tilespmem:$0x6F0];
	v36 =	vnsel vm10, $0x0, v36;
	v35 =	vnsel vm11, $0x0, v35;
	v39 =	vnsel vm12, $0x0, v39  }
0x105: {  	v37 =	vld [tilespmem:$0x310];
	v34 =	vmul.u32 $0x3, v34;
	v62 =	vmul.u32 $0x3, v42;
	vm13 =	vgt.s32 v41, $0x0  }
0x106: {  	v46 =	vld [tilespmem:$0x330];
	vm14 =	vgt.s32 v43, $0x0;
	vm15 =	vgt.s32 v45, $0x0;
	v26 =	vmin.u32 v26, $0x11  }
0x107: {  	v59 =	vld [tilespmem:$0x340];
	v27 =	vmin.u32 v27, $0x11;
	v30 =	vmin.u32 v30, $0x11;
	v28 =	vmin.u32 v28, $0x11  }
0x108: {  	v48 =	vld [tilespmem:$0x730];
	v55 =	vmin.u32 v31, $0x11;
	vm4 =	vgt.s32 v47, $0x0;
	vm5 =	vgt.s32 v49, $0x0  }
0x109: {  	v52 =	vld [tilespmem:$0x740];
	v41 =	vnsel vm13, $0x0, v41;
	v43 =	vnsel vm14, $0x0, v43;
	v45 =	vnsel vm15, $0x0, v45  }
0x10a: {  	v61 =	vld [tilespmem:$0x350];
	v26 =	vshll.u32 v26, $0x6;
	v27 =	vshll.u32 v27, $0x6;
	v47 =	vnsel vm4, $0x0, v47  }
0x10b: {  	v51 =	vld [tilespmem:$0x360];
	v29 =	vadd.s32 v29, v60;
	v37 =	vmul.u32 $0x3, v37;
	v34 =	vadd.s32 v38, v34  }
0x10c: {  	v56 =	vmul.u32 $0x3, v46;
	v38 =	vadd.s32 v44, v62;
	v58 =	vmul.u32 $0x3, v59;
	[tilespmem:$0xC80] =	vst v26  }
0x10d: {  	v63 =	vld [tilespmem:$0x750];
	v26 =	vshll.u32 v30, $0x6;
	[tilespmem:$0xC90] =	vst v27;
	v27 =	vshll.u32 v28, $0x6;
	vm6 =	vgt.s32 v29, $0x0  }
0x10e: {  	v57 =	vld [tilespmem:$0x760];
	vm7 =	vgt.s32 v34, $0x0;
	vm9 =	vgt.s32 v38, $0x0;
	v37 =	vadd.s32 v40, v37  }
0x10f: {  	v59 =	vld [tilespmem:$0x370];
	v40 =	vadd.s32 v48, v56;
	v60 =	vmul.u32 $0x3, v61;
	v44 =	vadd.s32 v52, v58  }
0x110: {  	v51 =	vmul.u32 $0x3, v51;
	v56 =	vshll.u32 v55, $0x6;
	v58 =	vmin.u32 v33, $0x11  }
0x111: {  	[tilespmem:$0xCA0] =	vst v26;
	v52 =	vnsel vm5, $0x0, v49;
	v53 =	vnsel vm6, $0x0, v29;
	v55 =	vnsel vm7, $0x0, v34  }
0x112: {  	[tilespmem:$0xCB0] =	vst v27;
	v61 =	vld [tilespmem:$0x380];
	v27 =	vshll.u32 v58, $0x6;
	vm8 =	vgt.s32 v37, $0x0;
	v28 =	vmin.u32 v53, $0x11  }
0x113: {  	v62 =	vld [tilespmem:$0x770];
	[tilespmem:$0xCC0] =	vst v56;
	v42 =	vadd.s32 v63, v60;
	v46 =	vadd.s32 v57, v51;
	v57 =	vmin.u32 v32, $0x11  }
0x114: {  	v63 =	vld [tilespmem:$0x780];
	[tilespmem:$0xCE0] =	vst v27;
	v50 =	vmul.u32 $0x3, v59;
	v26 =	vshll.u32 v57, $0x6;
	v59 =	vmin.u32 v36, $0x11  }
0x115: {  	v36 =	vmin.u32 v41, $0x11;
	v41 =	vmin.u32 v43, $0x11;
	v60 =	vshll.u32 v59, $0x6;
	[tilespmem:$0xCD0] =	vst v26  }
0x116: {  	vm10 =	vgt.s32 v40, $0x0;
	v43 =	vmin.u32 v45, $0x11;
	v27 =	vshll.u32 v41, $0x6;
	[tilespmem:$0xCF0] =	vst v60  }
0x117: {  	v45 =	vshll.u32 v43, $0x6;
	v54 =	vmul.u32 $0x3, v61;
	v61 =	vmin.u32 v35, $0x11;
	[tilespmem:$0xD30] =	vst v27  }
0x118: {  	vm11 =	vgt.s32 v44, $0x0;
	v50 =	vadd.s32 v62, v50;
	[tilespmem:$0xD40] =	vst v45;
	v62 =	vshll.u32 v61, $0x6  }
0x119: {  	v48 =	vadd.s32 v63, v54;
	v63 =	vmin.u32 v39, $0x11;
	v39 =	vshll.u32 v36, $0x6;
	[tilespmem:$0xD00] =	vst v62  }
0x11a: {  	v51 =	vmin.u32 v47, $0x11;
	v54 =	vmin.u32 v52, $0x11;
	v26 =	vshll.u32 v63, $0x6;
	[tilespmem:$0xD20] =	vst v39  }
0x11b: {  	v56 =	vnsel vm8, $0x0, v37;
	v58 =	vnsel vm10, $0x0, v40;
	v27 =	vshll.u32 v54, $0x6;
	[tilespmem:$0xD10] =	vst v26  }
0x11c: {  	v57 =	vnsel vm9, $0x0, v38;
	vm12 =	vgt.s32 v42, $0x0;
	v26 =	vshll.u32 v51, $0x6;
	[tilespmem:$0xD60] =	vst v27  }
0x11d: {  	v29 =	vmin.u32 v56, $0x11;
	v27 =	vmin.u32 v55, $0x11;
	[tilespmem:$0xD50] =	vst v26;
	v26 =	vshll.u32 v28, $0x6  }
0x11e: {  	vm13 =	vgt.s32 v46, $0x0;
	v59 =	vnsel vm11, $0x0, v44;
	v27 =	vshll.u32 v27, $0x6;
	[tilespmem:$0xD70] =	vst v26  }
0x11f: {  	v60 =	vmin.u32 v57, $0x11;
	v28 =	vmin.u32 v58, $0x11;
	[tilespmem:$0xD80] =	vst v27;
	v27 =	vshll.u32 v29, $0x6  }
0x120: {  	v61 =	vmin.u32 v59, $0x11;
	vm14 =	vgt.s32 v50, $0x0;
	v28 =	vshll.u32 v28, $0x6;
	[tilespmem:$0xD90] =	vst v27  }
0x121: {  	v62 =	vnsel vm13, $0x0, v46;
	v26 =	vnsel vm12, $0x0, v42;
	v27 =	vshll.u32 v60, $0x6;
	[tilespmem:$0xDB0] =	vst v28  }
0x122: {  	v63 =	vnsel vm14, $0x0, v50;
	v26 =	vmin.u32 v26, $0x11;
	[tilespmem:$0xDA0] =	vst v27;
	v27 =	vshll.u32 v61, $0x6  }
0x123: {  	vm15 =	vgt.s32 v48, $0x0;
	v26 =	vshll.u32 v26, $0x6;
	[tilespmem:$0xDC0] =	vst v27;
	v27 =	vmin.u32 v62, $0x11  }
0x124: {  	v28 =	vmin.u32 v63, $0x11;
	[tilespmem:$0xDD0] =	vst v26;
	v26 =	vnsel vm15, $0x0, v48;
	v27 =	vshll.u32 v27, $0x6  }
0x125: {  	v26 =	vmin.u32 v26, $0x11;
	[tilespmem:$0xDE0] =	vst v27;
	v27 =	vshll.u32 v28, $0x6  }
0x126: {  	v26 =	vshll.u32 v26, $0x6;
	[tilespmem:$0xDF0] =	vst v27  }
0x127: {  	s24 =	simm.s32 $0x0;
	[tilespmem:$0xE00] =	vst v26  }
.LBB2_7:
0x128: {  	v26 =	vld [tilespmem:$0xC80]  }
0x129: {  	v27 =	vld [tilespmem:$0xC90]  }
0x12a: {  	v28 =	vld [tilespmem:$0xCA0]  }
0x12b: {  	v29 =	vadd.s32 s24, v0;
	v30 =	vld [tilespmem:$0xCB0]  }
0x12c: {  	v31 =	vld [tilespmem:$0xCC0];
	v29 =	vand.u32 $0x3F, v29  }
0x12d: {  	v32 =	vld [tilespmem:$0xCD0];
	v26 =	vadd.s32 v29, v26  }
0x12e: {  	v33 =	vld [tilespmem:$0xCE0];
	v27 =	vadd.s32 v29, v27  }
0x12f: {  	v34 =	vld [tilespmem:$0xCF0];
	v28 =	vadd.s32 v29, v28  }
0x130: {  	v30 =	vadd.s32 v29, v30  }
0x131: {  	v31 =	vadd.s32 v29, v31  }
0x132: {  	v32 =	vadd.s32 v29, v32;
	v26 =	vld.idx.msk [tilespmem:v26+s12+$0x0], $0xffff  }
0x133: {  	v33 =	vadd.s32 v29, v33;
	v27 =	vld.idx.msk [tilespmem:v27+s12+$0x0], $0xffff  }
0x134: {  	v35 =	vor.u32 v1, v29;
	v34 =	vadd.s32 v29, v34;
	v28 =	vld.idx.msk [tilespmem:v28+s12+$0x0], $0xffff  }
0x135: {  	v36 =	vor.u32 v2, v29;
	v30 =	vld.idx.msk [tilespmem:v30+s12+$0x0], $0xffff  }
0x136: {  	v37 =	vor.u32 v3, v29;
	v31 =	vld.idx.msk [tilespmem:v31+s12+$0x0], $0xffff  }
0x137: {  	v38 =	vor.u32 v4, v29;
	v32 =	vld.idx.msk [tilespmem:v32+s12+$0x0], $0xffff  }
0x138: {  	v39 =	vor.u32 v5, v29;
	v33 =	vld.idx.msk [tilespmem:v33+s12+$0x0], $0xffff  }
0x139: {  	v34 =	vld.idx.msk [tilespmem:v34+s12+$0x0], $0xffff;
	[tilespmem:v35+s18+$0x0] =	vst.idx.msk $0xffff, v26;
	v26 =	vor.u32 v6, v29  }
0x13a: {  	[tilespmem:v36+s18+$0x0] =	vst.idx.msk $0xffff, v27;
	v27 =	vor.u32 v7, v29  }
0x13b: {  	v51 =	vor.u32 v8, v29;
	[tilespmem:v37+s18+$0x0] =	vst.idx.msk $0xffff, v28  }
0x13c: {  	[tilespmem:v38+s18+$0x0] =	vst.idx.msk $0xffff, v30  }
0x13d: {  	[tilespmem:v39+s18+$0x0] =	vst.idx.msk $0xffff, v31  }
0x13e: {  	[tilespmem:v26+s18+$0x0] =	vst.idx.msk $0xffff, v32  }
0x13f: {  	[tilespmem:v27+s18+$0x0] =	vst.idx.msk $0xffff, v33  }
0x140: {  	[tilespmem:v51+s18+$0x0] =	vst.idx.msk $0xffff, v34  }
0x141: {  	v26 =	vld [tilespmem:$0xD00]  }
0x142: {  	v27 =	vld [tilespmem:$0xD10]  }
0x143: {  	v28 =	vld [tilespmem:$0xD20]  }
0x144: {  	v30 =	vld [tilespmem:$0xD30]  }
0x145: {  	v31 =	vld [tilespmem:$0xD40]  }
0x146: {  	v32 =	vld [tilespmem:$0xD50];
	v26 =	vadd.s32 v29, v26  }
0x147: {  	v33 =	vld [tilespmem:$0xD60];
	v27 =	vadd.s32 v29, v27  }
0x148: {  	v34 =	vld [tilespmem:$0xD70];
	v28 =	vadd.s32 v29, v28  }
0x149: {  	v30 =	vadd.s32 v29, v30  }
0x14a: {  	v31 =	vadd.s32 v29, v31  }
0x14b: {  	v32 =	vadd.s32 v29, v32;
	v26 =	vld.idx.msk [tilespmem:v26+s12+$0x0], $0xffff  }
0x14c: {  	v33 =	vadd.s32 v29, v33;
	v27 =	vld.idx.msk [tilespmem:v27+s12+$0x0], $0xffff  }
0x14d: {  	v52 =	vor.u32 v9, v29;
	v34 =	vadd.s32 v29, v34;
	v28 =	vld.idx.msk [tilespmem:v28+s12+$0x0], $0xffff  }
0x14e: {  	v53 =	vor.u32 v10, v29;
	v30 =	vld.idx.msk [tilespmem:v30+s12+$0x0], $0xffff  }
0x14f: {  	v54 =	vor.u32 v11, v29;
	v31 =	vld.idx.msk [tilespmem:v31+s12+$0x0], $0xffff  }
0x150: {  	v55 =	vor.u32 v12, v29;
	v32 =	vld.idx.msk [tilespmem:v32+s12+$0x0], $0xffff  }
0x151: {  	v56 =	vor.u32 v13, v29;
	v33 =	vld.idx.msk [tilespmem:v33+s12+$0x0], $0xffff  }
0x152: {  	v34 =	vld.idx.msk [tilespmem:v34+s12+$0x0], $0xffff;
	[tilespmem:v52+s18+$0x0] =	vst.idx.msk $0xffff, v26;
	v26 =	vor.u32 v14, v29  }
0x153: {  	[tilespmem:v53+s18+$0x0] =	vst.idx.msk $0xffff, v27;
	v27 =	vor.u32 v15, v29  }
0x154: {  	v57 =	vor.u32 v16, v29;
	[tilespmem:v54+s18+$0x0] =	vst.idx.msk $0xffff, v28  }
0x155: {  	[tilespmem:v55+s18+$0x0] =	vst.idx.msk $0xffff, v30  }
0x156: {  	[tilespmem:v56+s18+$0x0] =	vst.idx.msk $0xffff, v31  }
0x157: {  	[tilespmem:v26+s18+$0x0] =	vst.idx.msk $0xffff, v32  }
0x158: {  	[tilespmem:v27+s18+$0x0] =	vst.idx.msk $0xffff, v33  }
0x159: {  	[tilespmem:v57+s18+$0x0] =	vst.idx.msk $0xffff, v34  }
0x15a: {  	v26 =	vld [tilespmem:$0xD80]  }
0x15b: {  	v27 =	vld [tilespmem:$0xD90]  }
0x15c: {  	v28 =	vld [tilespmem:$0xDA0]  }
0x15d: {  	v30 =	vld [tilespmem:$0xDB0]  }
0x15e: {  	v31 =	vld [tilespmem:$0xDC0]  }
0x15f: {  	v32 =	vld [tilespmem:$0xDD0];
	v26 =	vadd.s32 v29, v26  }
0x160: {  	v33 =	vld [tilespmem:$0xDE0];
	v27 =	vadd.s32 v29, v27  }
0x161: {  	v34 =	vld [tilespmem:$0xDF0];
	v28 =	vadd.s32 v29, v28  }
0x162: {  	v30 =	vadd.s32 v29, v30  }
0x163: {  	v31 =	vadd.s32 v29, v31  }
0x164: {  	v32 =	vadd.s32 v29, v32;
	v26 =	vld.idx.msk [tilespmem:v26+s12+$0x0], $0xffff  }
0x165: {  	v33 =	vadd.s32 v29, v33;
	v27 =	vld.idx.msk [tilespmem:v27+s12+$0x0], $0xffff  }
0x166: {  	v58 =	vor.u32 v17, v29;
	v34 =	vadd.s32 v29, v34;
	v28 =	vld.idx.msk [tilespmem:v28+s12+$0x0], $0xffff  }
0x167: {  	v59 =	vor.u32 v18, v29;
	v30 =	vld.idx.msk [tilespmem:v30+s12+$0x0], $0xffff  }
0x168: {  	v60 =	vor.u32 v19, v29;
	v31 =	vld.idx.msk [tilespmem:v31+s12+$0x0], $0xffff  }
0x169: {  	v61 =	vor.u32 v20, v29;
	v32 =	vld.idx.msk [tilespmem:v32+s12+$0x0], $0xffff  }
0x16a: {  	v62 =	vor.u32 v21, v29;
	v33 =	vld.idx.msk [tilespmem:v33+s12+$0x0], $0xffff  }
0x16b: {  	v34 =	vld.idx.msk [tilespmem:v34+s12+$0x0], $0xffff;
	[tilespmem:v58+s18+$0x0] =	vst.idx.msk $0xffff, v26;
	v26 =	vor.u32 v22, v29  }
0x16c: {  	[tilespmem:v59+s18+$0x0] =	vst.idx.msk $0xffff, v27;
	v27 =	vor.u32 v23, v29  }
0x16d: {  	v63 =	vor.u32 v24, v29;
	[tilespmem:v60+s18+$0x0] =	vst.idx.msk $0xffff, v28  }
0x16e: {  	[tilespmem:v61+s18+$0x0] =	vst.idx.msk $0xffff, v30  }
0x16f: {  	[tilespmem:v62+s18+$0x0] =	vst.idx.msk $0xffff, v31  }
0x170: {  	[tilespmem:v26+s18+$0x0] =	vst.idx.msk $0xffff, v32  }
0x171: {  	[tilespmem:v27+s18+$0x0] =	vst.idx.msk $0xffff, v33  }
0x172: {  	[tilespmem:v63+s18+$0x0] =	vst.idx.msk $0xffff, v34  }
0x173: {  	v26 =	vld [tilespmem:$0xE00];
	_ =	sdelay $0x4  }
0x174: {  	v26 =	vadd.s32 v29, v26;
	_ =	sdelay $0x4  }
0x175: {  	p0 =	sne.s32 s24, $0x3F;
	v27 =	vor.u32 v25, v29;
	v26 =	vld.idx.msk [tilespmem:v26+s12+$0x0], $0xffff  }
.Ltmp7:
0x176: {  	_ = 	snop;
	(pc) =	sbr.rel @p0 .LBB2_7-.Ltmp7, $2  }
0x177: {  	_ =	sdelay $0x2  }
0x178: {  	s24 =	sadd.s32 $0x1, s24;
	[tilespmem:v27+s18+$0x0] =	vst.idx.msk $0xffff, v26  }
.Ltmp8:
0x179: {  	(pc) =	sbr.rel .LBB2_9-.Ltmp8, $3  }
0x17a: {  	s23 =	smul.u32 $0x1900, s23;
	_ =	sdelay $0x1  }
0x17b: {  	s23 =	sadd.s32 s7, s23  }
0x17c: {  	[hbm4b:s23+s5] =	stream.linear.scatter [tilespmem:s18], [sflag:$0x4], $0xC800, $0x38;
	[tilespmem:$0x19E80] =	vst v63  }
.LBB2_11:
0x17d: {  	_ =	sfence.sel $0x180000  }
0x17e: {  	[bflag:$0x0] =	sbarrier.arrive $0xFFFF  }
0x17f: {  	p0 =	sne.s32 s1, $0x0;
	_ =	strace $0x90000047  }
0x180: {  	s0 =	sadd.s32 @!p0 $0x100000, s4;
	[bflag:$0x2] =	sbarrier.arrive $0xFFFF  }
0x181: {  	[sflag:s0] =	ssyncadd.tile.s32 @!p0 $0x1;
	_ =	shalt  }
.Lfunc_end2:
_tile_overlayer_lowered:
.L_overlay_start_2:
0x182: {  	(tag) =	ssettag $0x2  }
0x183: {  	s0 =	rddreg [dreg:$0x0];
	s2 =	stileid.u32  }
0x184: {  	s1 =	rddreg [dreg:$0x1];
	p0 =	sne.s32 s2, $0x0  }
0x185: {  	s3 =	rddreg [dreg:$0x2];
	[bflag:$0x3] =	sbarrier.arrive $0xFFFF;
	s2 =	simm.s32 @!p0 $0x1C05  }
0x186: {  	[timem:s3], [sflag:s2] =	dma.local @!p0 [hbm:s0], s1  }
0x187: {  	s0 =	simm.s32 @!p0 $0x5  }
0x188: {  	_ =	swait.ge @!p0 [sflag:s0], s1  }
0x189: {  	s1 =	ssub.s32 @!p0 $0x0, s1;
	[sflag:s0] =	ssyncset.done @!p0 $0x0  }
0x18a: {  	[sflag:s0] =	ssyncadd.s32 @!p0 s1  }
0x18b: {  	[bflag:$0x3] =	sbarrier.arrive $0xFFFF  }
0x18c: {  	_ =	shalt  }

</sc_bundles>
